<compile_context>
chip_gen: v7x
topology: tpu7x:2x2x1
jax: 0.10.2.dev20260603
libtpu: 0.0.44.dev20260713+nightly
codegen_flags: <defaults>
</compile_context>

<pallas_src>
import functools

import jax
import jax.numpy as jnp
from jax import lax
from jax.experimental import pallas as pl
from jax.experimental.pallas import tpu as pltpu

_B, _C, _H, _W = 4, 192, 224, 224
_GH = _GW = 56
_G = _GH * _GW
_GP = 3200
_NCH = _GP // 128
_K = 8


def _head(x, dw_w, bn_gamma, bn_beta, bn_mean, bn_var, pw_w, pw_b):
    y = lax.conv_general_dilated(x, dw_w, (1, 1), ((1, 1), (1, 1)),
                                 dimension_numbers=("NCHW", "OIHW", "NCHW"),
                                 feature_group_count=_C)
    y = (y - bn_mean[None, :, None, None]) / jnp.sqrt(bn_var[None, :, None, None] + 1e-5)
    y = y * bn_gamma[None, :, None, None] + bn_beta[None, :, None, None]
    y = y * jax.nn.sigmoid(y)
    y = lax.conv_general_dilated(y, pw_w, (1, 1), ((0, 0), (0, 0)),
                                 dimension_numbers=("NCHW", "OIHW", "NCHW"))
    y = y + pw_b[None, :, None, None]
    return jax.nn.sigmoid(y)


def _rank_order_kernel(srow_ref, scol_ref, si_ref, sj_ref, rank_scr):
    scol = scol_ref[0]

    def body1(i, _):
        base = pl.multiple_of(i * 128, 128)
        sch = srow_ref[0, 0:1, pl.ds(base, 128)]
        jsub = lax.broadcasted_iota(jnp.int32, (_GP, 128), 0)
        ilan = base + lax.broadcasted_iota(jnp.int32, (_GP, 128), 1)
        m = (scol > sch) | ((scol == sch) & (jsub < ilan))
        cnt = jnp.sum(m.astype(jnp.int32), axis=0, keepdims=True)
        rank_scr[0:1, pl.ds(base, 128)] = cnt
        return 0

    lax.fori_loop(0, _NCH, body1, 0)

    def body2(k, _):
        base = pl.multiple_of(k * 128, 128)
        kcol = base + lax.broadcasted_iota(jnp.int32, (128, 1), 0)
        rr = rank_scr[0:1, :]
        eqk = rr == kcol
        jl = lax.broadcasted_iota(jnp.int32, (128, _GP), 1)
        ordv = jnp.sum(jnp.where(eqk, jl, 0), axis=1, keepdims=True)
        si = (ordv * 37450) >> 21
        sj = ordv - si * 56
        si_ref[0, pl.ds(base, 128), :] = si
        sj_ref[0, pl.ds(base, 128), :] = sj
        return 0

    lax.fori_loop(0, _NCH, body2, 0)


def _permute_kernel(si_ref, sj_ref, *refs):
    xs = refs[:_K]
    scl_ref = refs[_K]
    out_ref = refs[_K + 1]
    for k in range(_K):
        out_ref[0, 0, :, k, :, :] = xs[k][0, 0, :, 0, :, :] * scl_ref[0, 0, :, k, :, :]


def _x_index_map(k, b, gi, gjb, si_r, sj_r):
    g = gi * _GW + gjb * _K + k
    return (b, si_r[b, g], 0, sj_r[b, g], 0, 0)


def _out_index_map(b, gi, gjb, si_r, sj_r):
    return (b, gi, 0, gjb, 0, 0)


def kernel(x, dw_w, bn_gamma, bn_beta, bn_mean, bn_var, pw_w, pw_b, guidance_scale):
    imp = _head(x, dw_w, bn_gamma, bn_beta, bn_mean, bn_var, pw_w, pw_b)
    scores = imp.reshape(_B, 1, _GH, _H // _GH, _GW, _W // _GW).mean(axis=(3, 5)).reshape(_B, _GH * _GW)

    sp = jnp.pad(scores, ((0, 0), (0, _GP - _G)), constant_values=-1.0)
    srow = sp.reshape(_B, 1, _GP)
    scol = sp.reshape(_B, _GP, 1)

    si, sj = pl.pallas_call(
        _rank_order_kernel,
        grid=(_B,),
        in_specs=[pl.BlockSpec((1, 1, _GP), lambda b: (b, 0, 0)),
                  pl.BlockSpec((1, _GP, 1), lambda b: (b, 0, 0))],
        out_specs=[pl.BlockSpec((1, _GP, 1), lambda b: (b, 0, 0)),
                   pl.BlockSpec((1, _GP, 1), lambda b: (b, 0, 0))],
        out_shape=[jax.ShapeDtypeStruct((_B, _GP, 1), jnp.int32),
                   jax.ShapeDtypeStruct((_B, _GP, 1), jnp.int32)],
        scratch_shapes=[pltpu.VMEM((1, _GP), jnp.int32)],
    )(srow, scol)

    scl = 1.0 + guidance_scale * imp[:, 0]
    scl_r = scl.reshape(_B, _GH, 4, _GW, 4).transpose(0, 1, 3, 2, 4).reshape(_B, _G, 16)
    si2, sj2 = si[:, :, 0], sj[:, :, 0]
    ordr = si2[:, :_G] * 56 + sj2[:, :_G]
    scl_p = jnp.take_along_axis(scl_r, ordr[:, :, None], axis=1)
    scl6 = scl_p.reshape(_B, _GH, _GW, 4, 4).transpose(0, 1, 3, 2, 4).reshape(_B, _GH, 4, _GW, 4, 1)

    x6 = x.transpose(0, 2, 3, 1).reshape(_B, _GH, 4, _GW, 4, _C)

    x_specs = [pl.BlockSpec((1, 1, 4, 1, 4, _C), functools.partial(_x_index_map, k))
               for k in range(_K)]
    scl_spec = pl.BlockSpec((1, 1, 4, _K, 4, 1), _out_index_map)
    out_spec = pl.BlockSpec((1, 1, 4, _K, 4, _C), _out_index_map)

    grid_spec = pltpu.PrefetchScalarGridSpec(
        num_scalar_prefetch=2,
        grid=(_B, _GH, _GW // _K),
        in_specs=x_specs + [scl_spec],
        out_specs=out_spec,
    )
    out6 = pl.pallas_call(
        _permute_kernel,
        grid_spec=grid_spec,
        out_shape=jax.ShapeDtypeStruct((_B, _GH, 4, _GW, 4, _C), jnp.float32),
    )(si2, sj2, *([x6] * _K), scl6)

    return out6.reshape(_B, _H, _W, _C).transpose(0, 3, 1, 2)

# --- scband reference (transcript-rebuilt; emitter-appended) ---
"""Pipeline reference for scband-fgigscan-26491358281920 (READ-ONLY COPY).

The authoritative reference and input builder live on the scoring server;
editing this copy changes nothing except your own understanding.
"""

import jax, jax.numpy as jnp
import numpy as np
from jax import lax

B, C, H, W = 4, 192, 224, 224
REGION_SIZE = 4


def _get_divisible_grid(height, width, region_size):
    gh = max(height // region_size, 1)
    gw = max(width // region_size, 1)
    gh = min(gh, height)
    gw = min(gw, width)
    while gh > 1 and height % gh != 0:
        gh -= 1
    while gw > 1 and width % gw != 0:
        gw -= 1
    return gh, gw


def setup_inputs(seed: int = 0):
    key = jax.random.key(seed)
    ks = jax.random.split(key, 4)
    x = jax.random.normal(ks[0], (B, C, H, W), dtype=jnp.float32)
    dw_w = jax.random.normal(ks[1], (C, 1, 3, 3), dtype=jnp.float32) * (1.0 / 3.0)
    bn_gamma = jnp.ones((C,), jnp.float32)
    bn_beta = jnp.zeros((C,), jnp.float32)
    bn_mean = jnp.zeros((C,), jnp.float32)
    bn_var = jnp.ones((C,), jnp.float32)
    pw_w = jax.random.normal(ks[2], (1, C, 1, 1), dtype=jnp.float32) * 0.05
    pw_b = jnp.zeros((1,), jnp.float32)
    guidance_scale = jnp.float32(0.5)
    return {"x": x, "dw_w": dw_w, "bn_gamma": bn_gamma, "bn_beta": bn_beta,
            "bn_mean": bn_mean, "bn_var": bn_var, "pw_w": pw_w, "pw_b": pw_b,
            "guidance_scale": guidance_scale}


def _fg_head(x, dw_w, bn_gamma, bn_beta, bn_mean, bn_var, pw_w, pw_b):
    y = lax.conv_general_dilated(x, dw_w, (1, 1), ((1, 1), (1, 1)),
                                 dimension_numbers=("NCHW", "OIHW", "NCHW"),
                                 feature_group_count=C)
    y = (y - bn_mean[None, :, None, None]) / jnp.sqrt(bn_var[None, :, None, None] + 1e-5)
    y = y * bn_gamma[None, :, None, None] + bn_beta[None, :, None, None]
    y = y * jax.nn.sigmoid(y)
    y = lax.conv_general_dilated(y, pw_w, (1, 1), ((0, 0), (0, 0)),
                                 dimension_numbers=("NCHW", "OIHW", "NCHW"))
    y = y + pw_b[None, :, None, None]
    return jax.nn.sigmoid(y)


def _region_permute_2d(x, order, gh, gw):
    b, c, h, w = x.shape
    rh, rw = h // gh, w // gw
    g, a = gh * gw, rh * rw
    t = x.reshape(b, c, gh, rh, gw, rw).transpose(0, 1, 2, 4, 3, 5).reshape(b, c, g, a)
    idx = jnp.broadcast_to(order[:, None, :, None], (b, c, g, a))
    t = jnp.take_along_axis(t, idx, axis=2)
    t = t.reshape(b, c, gh, gw, rh, rw).transpose(0, 1, 2, 4, 3, 5)
    return t.reshape(b, c, h, w)


def reference(x, dw_w, bn_gamma, bn_beta, bn_mean, bn_var, pw_w, pw_b, guidance_scale):
    gh, gw = _get_divisible_grid(H, W, REGION_SIZE)
    importance = _fg_head(x, dw_w, bn_gamma, bn_beta, bn_mean, bn_var, pw_w, pw_b)
    rh, rw = H // gh, W // gw
    scores = importance.reshape(B, 1, gh, rh, gw, rw).mean(axis=(3, 5)).reshape(B, gh * gw)
    order = jnp.argsort(-scores, axis=-1, stable=True)
    xm = x * (1.0 + guidance_scale * importance)
    return _region_permute_2d(xm, order, gh, gw)

if __name__ == "__main__":
    import jax
    _d = setup_inputs()
    print(jax.jit(kernel)(*tuple(_d.values())))

</pallas_src>

<mosaic_0001>
module attributes {stable_mosaic.version = 14 : i64} {
  func.func @_rank_order_kernel(%arg0: i32, %arg1: memref<1x1x3200xf32, #tpu.memory_space<vmem>>, %arg2: memref<1x3200x1xf32, #tpu.memory_space<vmem>>, %arg3: memref<1x3200x1xi32, #tpu.memory_space<vmem>>, %arg4: memref<1x3200x1xi32, #tpu.memory_space<vmem>>, %arg5: memref<1x3200xi32, #tpu.memory_space<vmem>>) attributes {dimension_semantics = [#tpu.dimension_semantics<arbitrary>], iteration_bounds = array<i64: 4>, scalar_prefetch = 0 : i64, scratch_operands = 1 : i64, tpu.core_type = #tpu.core_type<tc>, window_params = [{transform_indices = @transform_0, window_bounds = array<i64: 1, 1, 3200>}, {transform_indices = @transform_1, window_bounds = array<i64: 1, 3200, 1>}, {transform_indices = @transform_2, window_bounds = array<i64: 1, 3200, 1>}, {transform_indices = @transform_3, window_bounds = array<i64: 1, 3200, 1>}]} {
    %get3A = arith.constant 0 : index
    %get3A_0 = arith.constant 0 : index
    %get3A_1 = arith.constant 0 : index
    %get3A_2 = vector.load %arg2[%get3A, %get3A_0, %get3A_1] : memref<1x3200x1xf32, #tpu.memory_space<vmem>>, vector<1x3200x1xf32>
    %get3A_3 = vector.shape_cast %get3A_2 : vector<1x3200x1xf32> to vector<3200x1xf32>
    %scan3A = arith.constant 0 : i32
    %scan3A_4 = arith.constant 25 : i32
    %scan3A_5 = arith.addi %scan3A, %scan3A_4 : i32
    %scan3A_6 = arith.constant 1 : i32
    scf.for %scan3A_13 = %scan3A to %scan3A_5 step %scan3A_6  : i32 {
      %mul3A = arith.constant 128 : i32
      %mul3A_14 = arith.muli %scan3A_13, %mul3A : i32
      %multiple_of3A = tpu.assume_multiple %mul3A_14, 128 : i32
      %get3A_15 = arith.constant 0 : index
      %get3A_16 = arith.constant 0 : index
      %get3A_17 = arith.index_cast %multiple_of3A : i32 to index
      %get3A_18 = vector.load %arg1[%get3A_15, %get3A_16, %get3A_17] : memref<1x1x3200xf32, #tpu.memory_space<vmem>>, vector<1x1x128xf32>
      %get3A_19 = vector.shape_cast %get3A_18 : vector<1x1x128xf32> to vector<1x128xf32>
      %iota3A = tpu.iota {dimensions = array<i32: 0>} : vector<3200x128xi32>
      %iota3A_20 = tpu.iota {dimensions = array<i32: 1>} : vector<3200x128xi32>
      %add3A = vector.broadcast %multiple_of3A : i32 to vector<3200x128xi32>
      %add3A_21 = arith.addi %add3A, %iota3A_20 : vector<3200x128xi32>
      %gt3A = vector.broadcast %get3A_3 : vector<3200x1xf32> to vector<3200x128xf32>
      %gt3A_22 = vector.broadcast %get3A_19 : vector<1x128xf32> to vector<3200x128xf32>
      %gt3A_23 = arith.cmpf ogt, %gt3A, %gt3A_22 : vector<3200x128xf32>
      %eq3A = vector.broadcast %get3A_3 : vector<3200x1xf32> to vector<3200x128xf32>
      %eq3A_24 = vector.broadcast %get3A_19 : vector<1x128xf32> to vector<3200x128xf32>
      %eq3A_25 = arith.cmpf oeq, %eq3A, %eq3A_24 : vector<3200x128xf32>
      %lt3A = arith.cmpi slt, %iota3A, %add3A_21 : vector<3200x128xi32>
      %and3A = arith.andi %eq3A_25, %lt3A : vector<3200x128xi1>
      %or3A = arith.ori %gt3A_23, %and3A : vector<3200x128xi1>
      %convert_element_type3A = arith.extui %or3A : vector<3200x128xi1> to vector<3200x128xi32>
      %reduce_sum3A = arith.constant dense<0> : vector<128xi32>
      %reduce_sum3A_26 = vector.multi_reduction <add>, %convert_element_type3A, %reduce_sum3A [0] : vector<3200x128xi32> to vector<128xi32>
      %broadcast_in_dim3A = vector.shape_cast %reduce_sum3A_26 : vector<128xi32> to vector<1x128xi32>
      %swap3A = arith.constant 0 : index
      %swap3A_27 = arith.index_cast %multiple_of3A : i32 to index
      %swap3A_28 = vector.load %arg5[%swap3A, %swap3A_27] : memref<1x3200xi32, #tpu.memory_space<vmem>>, vector<1x128xi32>
      tpu.vector_store %arg5[%swap3A, %swap3A_27], %broadcast_in_dim3A {strides = array<i32>} : memref<1x3200xi32, #tpu.memory_space<vmem>>, vector<1x128xi32>,
    }
    %scan3A_7 = arith.constant 25 : i32
    %scan3A_8 = arith.constant 0 : i32
    %scan3A_9 = arith.constant 25 : i32
    %scan3A_10 = arith.addi %scan3A_8, %scan3A_9 : i32
    %scan3A_11 = arith.constant 1 : i32
    scf.for %scan3A_13 = %scan3A_8 to %scan3A_10 step %scan3A_11  : i32 {
      %mul3A = arith.constant 128 : i32
      %mul3A_14 = arith.muli %scan3A_13, %mul3A : i32
      %multiple_of3A = tpu.assume_multiple %mul3A_14, 128 : i32
      %iota3A = tpu.iota {dimensions = array<i32: 0>} : vector<128x1xi32>
      %add3A = vector.broadcast %multiple_of3A : i32 to vector<128x1xi32>
      %add3A_15 = arith.addi %add3A, %iota3A : vector<128x1xi32>
      %get3A_16 = arith.constant 0 : index
      %get3A_17 = arith.constant 0 : index
      %get3A_18 = vector.load %arg5[%get3A_16, %get3A_17] : memref<1x3200xi32, #tpu.memory_space<vmem>>, vector<1x3200xi32>
      %eq3A = vector.broadcast %get3A_18 : vector<1x3200xi32> to vector<128x3200xi32>
      %eq3A_19 = vector.broadcast %add3A_15 : vector<128x1xi32> to vector<128x3200xi32>
      %eq3A_20 = arith.cmpi eq, %eq3A, %eq3A_19 : vector<128x3200xi32>
      %iota3A_21 = tpu.iota {dimensions = array<i32: 1>} : vector<128x3200xi32>
      %jit3A = arith.constant 0 : i32
      %broadcast_in_dim3A = vector.broadcast %jit3A : i32 to vector<128x3200xi32>
      %select_n3A = arith.select %eq3A_20, %iota3A_21, %broadcast_in_dim3A : vector<128x3200xi1>, vector<128x3200xi32>
      %reduce_sum3A = arith.constant dense<0> : vector<128xi32>
      %reduce_sum3A_22 = vector.multi_reduction <add>, %select_n3A, %reduce_sum3A [1] : vector<128x3200xi32> to vector<128xi32>
      %broadcast_in_dim3A_23 = vector.shape_cast %reduce_sum3A_22 : vector<128xi32> to vector<128x1xi32>
      %mul3A_24 = arith.constant 37450 : i32
      %mul3A_25 = vector.broadcast %mul3A_24 : i32 to vector<128x1xi32>
      %mul3A_26 = arith.muli %broadcast_in_dim3A_23, %mul3A_25 : vector<128x1xi32>
      %shift_right_arithmetic3A = arith.constant 21 : i32
      %shift_right_arithmetic3A_27 = vector.broadcast %shift_right_arithmetic3A : i32 to vector<128x1xi32>
      %shift_right_arithmetic3A_28 = arith.shrsi %mul3A_26, %shift_right_arithmetic3A_27 : vector<128x1xi32>
      %mul3A_29 = arith.constant 56 : i32
      %mul3A_30 = vector.broadcast %mul3A_29 : i32 to vector<128x1xi32>
      %mul3A_31 = arith.muli %shift_right_arithmetic3A_28, %mul3A_30 : vector<128x1xi32>
      %sub3A = arith.subi %broadcast_in_dim3A_23, %mul3A_31 : vector<128x1xi32>
      %swap3A = arith.constant 0 : index
      %swap3A_32 = arith.index_cast %multiple_of3A : i32 to index
      %swap3A_33 = arith.constant 0 : index
      %swap3A_34 = vector.load %arg3[%swap3A, %swap3A_32, %swap3A_33] : memref<1x3200x1xi32, #tpu.memory_space<vmem>>, vector<1x128x1xi32>
      %swap3A_35 = vector.shape_cast %swap3A_34 : vector<1x128x1xi32> to vector<128x1xi32>
      %swap3A_36 = vector.shape_cast %shift_right_arithmetic3A_28 : vector<128x1xi32> to vector<1x128x1xi32>
      tpu.vector_store %arg3[%swap3A, %swap3A_32, %swap3A_33], %swap3A_36 {strides = array<i32>} : memref<1x3200x1xi32, #tpu.memory_space<vmem>>, vector<1x128x1xi32>,
      %swap3A_37 = arith.constant 0 : index
      %swap3A_38 = arith.index_cast %multiple_of3A : i32 to index
      %swap3A_39 = arith.constant 0 : index
      %swap3A_40 = vector.load %arg4[%swap3A_37, %swap3A_38, %swap3A_39] : memref<1x3200x1xi32, #tpu.memory_space<vmem>>, vector<1x128x1xi32>
      %swap3A_41 = vector.shape_cast %swap3A_40 : vector<1x128x1xi32> to vector<128x1xi32>
      %swap3A_42 = vector.shape_cast %sub3A : vector<128x1xi32> to vector<1x128x1xi32>
      tpu.vector_store %arg4[%swap3A_37, %swap3A_38, %swap3A_39], %swap3A_42 {strides = array<i32>} : memref<1x3200x1xi32, #tpu.memory_space<vmem>>, vector<1x128x1xi32>,
    }
    %scan3A_12 = arith.constant 25 : i32
    return
  }
  func.func @transform_0(%arg0: i32) -> (i32, i32, i32) {
    %c0_i32 = arith.constant 0 : i32
    %c0_i32_0 = arith.constant 0 : i32
    %c0_i32_1 = arith.constant 0 : i32
    return %arg0, %c0_i32, %c0_i32_0 : i32, i32, i32
  }
  func.func @transform_1(%arg0: i32) -> (i32, i32, i32) {
    %c0_i32 = arith.constant 0 : i32
    %c0_i32_0 = arith.constant 0 : i32
    %c0_i32_1 = arith.constant 0 : i32
    return %arg0, %c0_i32, %c0_i32_0 : i32, i32, i32
  }
  func.func @transform_2(%arg0: i32) -> (i32, i32, i32) {
    %c0_i32 = arith.constant 0 : i32
    %c0_i32_0 = arith.constant 0 : i32
    %c0_i32_1 = arith.constant 0 : i32
    return %arg0, %c0_i32, %c0_i32_0 : i32, i32, i32
  }
  func.func @transform_3(%arg0: i32) -> (i32, i32, i32) {
    %c0_i32 = arith.constant 0 : i32
    %c0_i32_0 = arith.constant 0 : i32
    %c0_i32_1 = arith.constant 0 : i32
    return %arg0, %c0_i32, %c0_i32_0 : i32, i32, i32
  }
}

module attributes {stable_mosaic.version = 14 : i64} {
  func.func @_permute_kernel(%arg0: i32, %arg1: i32, %arg2: i32, %arg3: memref<4x3200xi32, #tpu.memory_space<smem>>, %arg4: memref<4x3200xi32, #tpu.memory_space<smem>>, %arg5: memref<1x1x4x1x4x192xf32, #tpu.memory_space<vmem>>, %arg6: memref<1x1x4x1x4x192xf32, #tpu.memory_space<vmem>>, %arg7: memref<1x1x4x1x4x192xf32, #tpu.memory_space<vmem>>, %arg8: memref<1x1x4x1x4x192xf32, #tpu.memory_space<vmem>>, %arg9: memref<1x1x4x1x4x192xf32, #tpu.memory_space<vmem>>, %arg10: memref<1x1x4x1x4x192xf32, #tpu.memory_space<vmem>>, %arg11: memref<1x1x4x1x4x192xf32, #tpu.memory_space<vmem>>, %arg12: memref<1x1x4x1x4x192xf32, #tpu.memory_space<vmem>>, %arg13: memref<1x1x4x8x4x1xf32, #tpu.memory_space<vmem>>, %arg14: memref<1x1x4x8x4x192xf32, #tpu.memory_space<vmem>>) attributes {dimension_semantics = [#tpu.dimension_semantics<arbitrary>, #tpu.dimension_semantics<arbitrary>, #tpu.dimension_semantics<arbitrary>], iteration_bounds = array<i64: 4, 56, 7>, scalar_prefetch = 2 : i64, scratch_operands = 0 : i64, tpu.core_type = #tpu.core_type<tc>, window_params = [{transform_indices = @transform_0, window_bounds = array<i64: 1, 1, 4, 1, 4, 192>}, {transform_indices = @transform_1, window_bounds = array<i64: 1, 1, 4, 1, 4, 192>}, {transform_indices = @transform_2, window_bounds = array<i64: 1, 1, 4, 1, 4, 192>}, {transform_indices = @transform_3, window_bounds = array<i64: 1, 1, 4, 1, 4, 192>}, {transform_indices = @transform_4, window_bounds = array<i64: 1, 1, 4, 1, 4, 192>}, {transform_indices = @transform_5, window_bounds = array<i64: 1, 1, 4, 1, 4, 192>}, {transform_indices = @transform_6, window_bounds = array<i64: 1, 1, 4, 1, 4, 192>}, {transform_indices = @transform_7, window_bounds = array<i64: 1, 1, 4, 1, 4, 192>}, {transform_indices = @transform_8, window_bounds = array<i64: 1, 1, 4, 8, 4, 1>}, {transform_indices = @transform_9, window_bounds = array<i64: 1, 1, 4, 8, 4, 192>}]} {
    %get3A = arith.constant 0 : index
    %get3A_0 = arith.constant 0 : index
    %get3A_1 = arith.constant 0 : index
    %get3A_2 = arith.constant 0 : index
    %get3A_3 = arith.constant 0 : index
    %get3A_4 = arith.constant 0 : index
    %get3A_5 = vector.load %arg5[%get3A, %get3A_0, %get3A_1, %get3A_2, %get3A_3, %get3A_4] : memref<1x1x4x1x4x192xf32, #tpu.memory_space<vmem>>, vector<1x1x4x1x4x192xf32>
    %get3A_6 = vector.shape_cast %get3A_5 : vector<1x1x4x1x4x192xf32> to vector<4x4x192xf32>
    %get3A_7 = arith.constant 0 : index
    %get3A_8 = arith.constant 0 : index
    %get3A_9 = arith.constant 0 : index
    %get3A_10 = arith.constant 0 : index
    %get3A_11 = arith.constant 0 : index
    %get3A_12 = arith.constant 0 : index
    %get3A_13 = vector.load %arg13[%get3A_7, %get3A_8, %get3A_9, %get3A_10, %get3A_11, %get3A_12] : memref<1x1x4x8x4x1xf32, #tpu.memory_space<vmem>>, vector<1x1x4x1x4x1xf32>
    %get3A_14 = vector.shape_cast %get3A_13 : vector<1x1x4x1x4x1xf32> to vector<4x4x1xf32>
    %mul3A = vector.broadcast %get3A_14 : vector<4x4x1xf32> to vector<4x4x192xf32>
    %mul3A_15 = arith.mulf %get3A_6, %mul3A : vector<4x4x192xf32>
    %swap3A = arith.constant 0 : index
    %swap3A_16 = arith.constant 0 : index
    %swap3A_17 = arith.constant 0 : index
    %swap3A_18 = arith.constant 0 : index
    %swap3A_19 = arith.constant 0 : index
    %swap3A_20 = arith.constant 0 : index
    %swap3A_21 = vector.load %arg14[%swap3A, %swap3A_16, %swap3A_17, %swap3A_18, %swap3A_19, %swap3A_20] : memref<1x1x4x8x4x192xf32, #tpu.memory_space<vmem>>, vector<1x1x4x1x4x192xf32>
    %swap3A_22 = vector.shape_cast %swap3A_21 : vector<1x1x4x1x4x192xf32> to vector<4x4x192xf32>
    %swap3A_23 = vector.shape_cast %mul3A_15 : vector<4x4x192xf32> to vector<1x1x4x1x4x192xf32>
    tpu.vector_store %arg14[%swap3A, %swap3A_16, %swap3A_17, %swap3A_18, %swap3A_19, %swap3A_20], %swap3A_23 {strides = array<i32>} : memref<1x1x4x8x4x192xf32, #tpu.memory_space<vmem>>, vector<1x1x4x1x4x192xf32>,
    %get3A_24 = arith.constant 0 : index
    %get3A_25 = arith.constant 0 : index
    %get3A_26 = arith.constant 0 : index
    %get3A_27 = arith.constant 0 : index
    %get3A_28 = arith.constant 0 : index
    %get3A_29 = arith.constant 0 : index
    %get3A_30 = vector.load %arg6[%get3A_24, %get3A_25, %get3A_26, %get3A_27, %get3A_28, %get3A_29] : memref<1x1x4x1x4x192xf32, #tpu.memory_space<vmem>>, vector<1x1x4x1x4x192xf32>
    %get3A_31 = vector.shape_cast %get3A_30 : vector<1x1x4x1x4x192xf32> to vector<4x4x192xf32>
    %get3A_32 = arith.constant 0 : index
    %get3A_33 = arith.constant 0 : index
    %get3A_34 = arith.constant 0 : index
    %get3A_35 = arith.constant 1 : index
    %get3A_36 = arith.constant 0 : index
    %get3A_37 = arith.constant 0 : index
    %get3A_38 = vector.load %arg13[%get3A_32, %get3A_33, %get3A_34, %get3A_35, %get3A_36, %get3A_37] : memref<1x1x4x8x4x1xf32, #tpu.memory_space<vmem>>, vector<1x1x4x1x4x1xf32>
    %get3A_39 = vector.shape_cast %get3A_38 : vector<1x1x4x1x4x1xf32> to vector<4x4x1xf32>
    %mul3A_40 = vector.broadcast %get3A_39 : vector<4x4x1xf32> to vector<4x4x192xf32>
    %mul3A_41 = arith.mulf %get3A_31, %mul3A_40 : vector<4x4x192xf32>
    %swap3A_42 = arith.constant 0 : index
    %swap3A_43 = arith.constant 0 : index
    %swap3A_44 = arith.constant 0 : index
    %swap3A_45 = arith.constant 1 : index
    %swap3A_46 = arith.constant 0 : index
    %swap3A_47 = arith.constant 0 : index
    %swap3A_48 = vector.load %arg14[%swap3A_42, %swap3A_43, %swap3A_44, %swap3A_45, %swap3A_46, %swap3A_47] : memref<1x1x4x8x4x192xf32, #tpu.memory_space<vmem>>, vector<1x1x4x1x4x192xf32>
    %swap3A_49 = vector.shape_cast %swap3A_48 : vector<1x1x4x1x4x192xf32> to vector<4x4x192xf32>
    %swap3A_50 = vector.shape_cast %mul3A_41 : vector<4x4x192xf32> to vector<1x1x4x1x4x192xf32>
    tpu.vector_store %arg14[%swap3A_42, %swap3A_43, %swap3A_44, %swap3A_45, %swap3A_46, %swap3A_47], %swap3A_50 {strides = array<i32>} : memref<1x1x4x8x4x192xf32, #tpu.memory_space<vmem>>, vector<1x1x4x1x4x192xf32>,
    %get3A_51 = arith.constant 0 : index
    %get3A_52 = arith.constant 0 : index
    %get3A_53 = arith.constant 0 : index
    %get3A_54 = arith.constant 0 : index
    %get3A_55 = arith.constant 0 : index
    %get3A_56 = arith.constant 0 : index
    %get3A_57 = vector.load %arg7[%get3A_51, %get3A_52, %get3A_53, %get3A_54, %get3A_55, %get3A_56] : memref<1x1x4x1x4x192xf32, #tpu.memory_space<vmem>>, vector<1x1x4x1x4x192xf32>
    %get3A_58 = vector.shape_cast %get3A_57 : vector<1x1x4x1x4x192xf32> to vector<4x4x192xf32>
    %get3A_59 = arith.constant 0 : index
    %get3A_60 = arith.constant 0 : index
    %get3A_61 = arith.constant 0 : index
    %get3A_62 = arith.constant 2 : index
    %get3A_63 = arith.constant 0 : index
    %get3A_64 = arith.constant 0 : index
    %get3A_65 = vector.load %arg13[%get3A_59, %get3A_60, %get3A_61, %get3A_62, %get3A_63, %get3A_64] : memref<1x1x4x8x4x1xf32, #tpu.memory_space<vmem>>, vector<1x1x4x1x4x1xf32>
    %get3A_66 = vector.shape_cast %get3A_65 : vector<1x1x4x1x4x1xf32> to vector<4x4x1xf32>
    %mul3A_67 = vector.broadcast %get3A_66 : vector<4x4x1xf32> to vector<4x4x192xf32>
    %mul3A_68 = arith.mulf %get3A_58, %mul3A_67 : vector<4x4x192xf32>
    %swap3A_69 = arith.constant 0 : index
    %swap3A_70 = arith.constant 0 : index
    %swap3A_71 = arith.constant 0 : index
    %swap3A_72 = arith.constant 2 : index
    %swap3A_73 = arith.constant 0 : index
    %swap3A_74 = arith.constant 0 : index
    %swap3A_75 = vector.load %arg14[%swap3A_69, %swap3A_70, %swap3A_71, %swap3A_72, %swap3A_73, %swap3A_74] : memref<1x1x4x8x4x192xf32, #tpu.memory_space<vmem>>, vector<1x1x4x1x4x192xf32>
    %swap3A_76 = vector.shape_cast %swap3A_75 : vector<1x1x4x1x4x192xf32> to vector<4x4x192xf32>
    %swap3A_77 = vector.shape_cast %mul3A_68 : vector<4x4x192xf32> to vector<1x1x4x1x4x192xf32>
    tpu.vector_store %arg14[%swap3A_69, %swap3A_70, %swap3A_71, %swap3A_72, %swap3A_73, %swap3A_74], %swap3A_77 {strides = array<i32>} : memref<1x1x4x8x4x192xf32, #tpu.memory_space<vmem>>, vector<1x1x4x1x4x192xf32>,
    %get3A_78 = arith.constant 0 : index
    %get3A_79 = arith.constant 0 : index
    %get3A_80 = arith.constant 0 : index
    %get3A_81 = arith.constant 0 : index
    %get3A_82 = arith.constant 0 : index
    %get3A_83 = arith.constant 0 : index
    %get3A_84 = vector.load %arg8[%get3A_78, %get3A_79, %get3A_80, %get3A_81, %get3A_82, %get3A_83] : memref<1x1x4x1x4x192xf32, #tpu.memory_space<vmem>>, vector<1x1x4x1x4x192xf32>
    %get3A_85 = vector.shape_cast %get3A_84 : vector<1x1x4x1x4x192xf32> to vector<4x4x192xf32>
    %get3A_86 = arith.constant 0 : index
    %get3A_87 = arith.constant 0 : index
    %get3A_88 = arith.constant 0 : index
    %get3A_89 = arith.constant 3 : index
    %get3A_90 = arith.constant 0 : index
    %get3A_91 = arith.constant 0 : index
    %get3A_92 = vector.load %arg13[%get3A_86, %get3A_87, %get3A_88, %get3A_89, %get3A_90, %get3A_91] : memref<1x1x4x8x4x1xf32, #tpu.memory_space<vmem>>, vector<1x1x4x1x4x1xf32>
    %get3A_93 = vector.shape_cast %get3A_92 : vector<1x1x4x1x4x1xf32> to vector<4x4x1xf32>
    %mul3A_94 = vector.broadcast %get3A_93 : vector<4x4x1xf32> to vector<4x4x192xf32>
    %mul3A_95 = arith.mulf %get3A_85, %mul3A_94 : vector<4x4x192xf32>
    %swap3A_96 = arith.constant 0 : index
    %swap3A_97 = arith.constant 0 : index
    %swap3A_98 = arith.constant 0 : index
    %swap3A_99 = arith.constant 3 : index
    %swap3A_100 = arith.constant 0 : index
    %swap3A_101 = arith.constant 0 : index
    %swap3A_102 = vector.load %arg14[%swap3A_96, %swap3A_97, %swap3A_98, %swap3A_99, %swap3A_100, %swap3A_101] : memref<1x1x4x8x4x192xf32, #tpu.memory_space<vmem>>, vector<1x1x4x1x4x192xf32>
    %swap3A_103 = vector.shape_cast %swap3A_102 : vector<1x1x4x1x4x192xf32> to vector<4x4x192xf32>
    %swap3A_104 = vector.shape_cast %mul3A_95 : vector<4x4x192xf32> to vector<1x1x4x1x4x192xf32>
    tpu.vector_store %arg14[%swap3A_96, %swap3A_97, %swap3A_98, %swap3A_99, %swap3A_100, %swap3A_101], %swap3A_104 {strides = array<i32>} : memref<1x1x4x8x4x192xf32, #tpu.memory_space<vmem>>, vector<1x1x4x1x4x192xf32>,
    %get3A_105 = arith.constant 0 : index
    %get3A_106 = arith.constant 0 : index
    %get3A_107 = arith.constant 0 : index
    %get3A_108 = arith.constant 0 : index
    %get3A_109 = arith.constant 0 : index
    %get3A_110 = arith.constant 0 : index
    %get3A_111 = vector.load %arg9[%get3A_105, %get3A_106, %get3A_107, %get3A_108, %get3A_109, %get3A_110] : memref<1x1x4x1x4x192xf32, #tpu.memory_space<vmem>>, vector<1x1x4x1x4x192xf32>
    %get3A_112 = vector.shape_cast %get3A_111 : vector<1x1x4x1x4x192xf32> to vector<4x4x192xf32>
    %get3A_113 = arith.constant 0 : index
    %get3A_114 = arith.constant 0 : index
    %get3A_115 = arith.constant 0 : index
    %get3A_116 = arith.constant 4 : index
    %get3A_117 = arith.constant 0 : index
    %get3A_118 = arith.constant 0 : index
    %get3A_119 = vector.load %arg13[%get3A_113, %get3A_114, %get3A_115, %get3A_116, %get3A_117, %get3A_118] : memref<1x1x4x8x4x1xf32, #tpu.memory_space<vmem>>, vector<1x1x4x1x4x1xf32>
    %get3A_120 = vector.shape_cast %get3A_119 : vector<1x1x4x1x4x1xf32> to vector<4x4x1xf32>
    %mul3A_121 = vector.broadcast %get3A_120 : vector<4x4x1xf32> to vector<4x4x192xf32>
    %mul3A_122 = arith.mulf %get3A_112, %mul3A_121 : vector<4x4x192xf32>
    %swap3A_123 = arith.constant 0 : index
    %swap3A_124 = arith.constant 0 : index
    %swap3A_125 = arith.constant 0 : index
    %swap3A_126 = arith.constant 4 : index
    %swap3A_127 = arith.constant 0 : index
    %swap3A_128 = arith.constant 0 : index
    %swap3A_129 = vector.load %arg14[%swap3A_123, %swap3A_124, %swap3A_125, %swap3A_126, %swap3A_127, %swap3A_128] : memref<1x1x4x8x4x192xf32, #tpu.memory_space<vmem>>, vector<1x1x4x1x4x192xf32>
    %swap3A_130 = vector.shape_cast %swap3A_129 : vector<1x1x4x1x4x192xf32> to vector<4x4x192xf32>
    %swap3A_131 = vector.shape_cast %mul3A_122 : vector<4x4x192xf32> to vector<1x1x4x1x4x192xf32>
    tpu.vector_store %arg14[%swap3A_123, %swap3A_124, %swap3A_125, %swap3A_126, %swap3A_127, %swap3A_128], %swap3A_131 {strides = array<i32>} : memref<1x1x4x8x4x192xf32, #tpu.memory_space<vmem>>, vector<1x1x4x1x4x192xf32>,
    %get3A_132 = arith.constant 0 : index
    %get3A_133 = arith.constant 0 : index
    %get3A_134 = arith.constant 0 : index
    %get3A_135 = arith.constant 0 : index
    %get3A_136 = arith.constant 0 : index
    %get3A_137 = arith.constant 0 : index
    %get3A_138 = vector.load %arg10[%get3A_132, %get3A_133, %get3A_134, %get3A_135, %get3A_136, %get3A_137] : memref<1x1x4x1x4x192xf32, #tpu.memory_space<vmem>>, vector<1x1x4x1x4x192xf32>
    %get3A_139 = vector.shape_cast %get3A_138 : vector<1x1x4x1x4x192xf32> to vector<4x4x192xf32>
    %get3A_140 = arith.constant 0 : index
    %get3A_141 = arith.constant 0 : index
    %get3A_142 = arith.constant 0 : index
    %get3A_143 = arith.constant 5 : index
    %get3A_144 = arith.constant 0 : index
    %get3A_145 = arith.constant 0 : index
    %get3A_146 = vector.load %arg13[%get3A_140, %get3A_141, %get3A_142, %get3A_143, %get3A_144, %get3A_145] : memref<1x1x4x8x4x1xf32, #tpu.memory_space<vmem>>, vector<1x1x4x1x4x1xf32>
    %get3A_147 = vector.shape_cast %get3A_146 : vector<1x1x4x1x4x1xf32> to vector<4x4x1xf32>
    %mul3A_148 = vector.broadcast %get3A_147 : vector<4x4x1xf32> to vector<4x4x192xf32>
    %mul3A_149 = arith.mulf %get3A_139, %mul3A_148 : vector<4x4x192xf32>
    %swap3A_150 = arith.constant 0 : index
    %swap3A_151 = arith.constant 0 : index
    %swap3A_152 = arith.constant 0 : index
    %swap3A_153 = arith.constant 5 : index
    %swap3A_154 = arith.constant 0 : index
    %swap3A_155 = arith.constant 0 : index
    %swap3A_156 = vector.load %arg14[%swap3A_150, %swap3A_151, %swap3A_152, %swap3A_153, %swap3A_154, %swap3A_155] : memref<1x1x4x8x4x192xf32, #tpu.memory_space<vmem>>, vector<1x1x4x1x4x192xf32>
    %swap3A_157 = vector.shape_cast %swap3A_156 : vector<1x1x4x1x4x192xf32> to vector<4x4x192xf32>
    %swap3A_158 = vector.shape_cast %mul3A_149 : vector<4x4x192xf32> to vector<1x1x4x1x4x192xf32>
    tpu.vector_store %arg14[%swap3A_150, %swap3A_151, %swap3A_152, %swap3A_153, %swap3A_154, %swap3A_155], %swap3A_158 {strides = array<i32>} : memref<1x1x4x8x4x192xf32, #tpu.memory_space<vmem>>, vector<1x1x4x1x4x192xf32>,
    %get3A_159 = arith.constant 0 : index
    %get3A_160 = arith.constant 0 : index
    %get3A_161 = arith.constant 0 : index
    %get3A_162 = arith.constant 0 : index
    %get3A_163 = arith.constant 0 : index
    %get3A_164 = arith.constant 0 : index
    %get3A_165 = vector.load %arg11[%get3A_159, %get3A_160, %get3A_161, %get3A_162, %get3A_163, %get3A_164] : memref<1x1x4x1x4x192xf32, #tpu.memory_space<vmem>>, vector<1x1x4x1x4x192xf32>
    %get3A_166 = vector.shape_cast %get3A_165 : vector<1x1x4x1x4x192xf32> to vector<4x4x192xf32>
    %get3A_167 = arith.constant 0 : index
    %get3A_168 = arith.constant 0 : index
    %get3A_169 = arith.constant 0 : index
    %get3A_170 = arith.constant 6 : index
    %get3A_171 = arith.constant 0 : index
    %get3A_172 = arith.constant 0 : index
    %get3A_173 = vector.load %arg13[%get3A_167, %get3A_168, %get3A_169, %get3A_170, %get3A_171, %get3A_172] : memref<1x1x4x8x4x1xf32, #tpu.memory_space<vmem>>, vector<1x1x4x1x4x1xf32>
    %get3A_174 = vector.shape_cast %get3A_173 : vector<1x1x4x1x4x1xf32> to vector<4x4x1xf32>
    %mul3A_175 = vector.broadcast %get3A_174 : vector<4x4x1xf32> to vector<4x4x192xf32>
    %mul3A_176 = arith.mulf %get3A_166, %mul3A_175 : vector<4x4x192xf32>
    %swap3A_177 = arith.constant 0 : index
    %swap3A_178 = arith.constant 0 : index
    %swap3A_179 = arith.constant 0 : index
    %swap3A_180 = arith.constant 6 : index
    %swap3A_181 = arith.constant 0 : index
    %swap3A_182 = arith.constant 0 : index
    %swap3A_183 = vector.load %arg14[%swap3A_177, %swap3A_178, %swap3A_179, %swap3A_180, %swap3A_181, %swap3A_182] : memref<1x1x4x8x4x192xf32, #tpu.memory_space<vmem>>, vector<1x1x4x1x4x192xf32>
    %swap3A_184 = vector.shape_cast %swap3A_183 : vector<1x1x4x1x4x192xf32> to vector<4x4x192xf32>
    %swap3A_185 = vector.shape_cast %mul3A_176 : vector<4x4x192xf32> to vector<1x1x4x1x4x192xf32>
    tpu.vector_store %arg14[%swap3A_177, %swap3A_178, %swap3A_179, %swap3A_180, %swap3A_181, %swap3A_182], %swap3A_185 {strides = array<i32>} : memref<1x1x4x8x4x192xf32, #tpu.memory_space<vmem>>, vector<1x1x4x1x4x192xf32>,
    %get3A_186 = arith.constant 0 : index
    %get3A_187 = arith.constant 0 : index
    %get3A_188 = arith.constant 0 : index
    %get3A_189 = arith.constant 0 : index
    %get3A_190 = arith.constant 0 : index
    %get3A_191 = arith.constant 0 : index
    %get3A_192 = vector.load %arg12[%get3A_186, %get3A_187, %get3A_188, %get3A_189, %get3A_190, %get3A_191] : memref<1x1x4x1x4x192xf32, #tpu.memory_space<vmem>>, vector<1x1x4x1x4x192xf32>
    %get3A_193 = vector.shape_cast %get3A_192 : vector<1x1x4x1x4x192xf32> to vector<4x4x192xf32>
    %get3A_194 = arith.constant 0 : index
    %get3A_195 = arith.constant 0 : index
    %get3A_196 = arith.constant 0 : index
    %get3A_197 = arith.constant 7 : index
    %get3A_198 = arith.constant 0 : index
    %get3A_199 = arith.constant 0 : index
    %get3A_200 = vector.load %arg13[%get3A_194, %get3A_195, %get3A_196, %get3A_197, %get3A_198, %get3A_199] : memref<1x1x4x8x4x1xf32, #tpu.memory_space<vmem>>, vector<1x1x4x1x4x1xf32>
    %get3A_201 = vector.shape_cast %get3A_200 : vector<1x1x4x1x4x1xf32> to vector<4x4x1xf32>
    %mul3A_202 = vector.broadcast %get3A_201 : vector<4x4x1xf32> to vector<4x4x192xf32>
    %mul3A_203 = arith.mulf %get3A_193, %mul3A_202 : vector<4x4x192xf32>
    %swap3A_204 = arith.constant 0 : index
    %swap3A_205 = arith.constant 0 : index
    %swap3A_206 = arith.constant 0 : index
    %swap3A_207 = arith.constant 7 : index
    %swap3A_208 = arith.constant 0 : index
    %swap3A_209 = arith.constant 0 : index
    %swap3A_210 = vector.load %arg14[%swap3A_204, %swap3A_205, %swap3A_206, %swap3A_207, %swap3A_208, %swap3A_209] : memref<1x1x4x8x4x192xf32, #tpu.memory_space<vmem>>, vector<1x1x4x1x4x192xf32>
    %swap3A_211 = vector.shape_cast %swap3A_210 : vector<1x1x4x1x4x192xf32> to vector<4x4x192xf32>
    %swap3A_212 = vector.shape_cast %mul3A_203 : vector<4x4x192xf32> to vector<1x1x4x1x4x192xf32>
    tpu.vector_store %arg14[%swap3A_204, %swap3A_205, %swap3A_206, %swap3A_207, %swap3A_208, %swap3A_209], %swap3A_212 {strides = array<i32>} : memref<1x1x4x8x4x192xf32, #tpu.memory_space<vmem>>, vector<1x1x4x1x4x192xf32>,
    return
  }
  func.func @transform_0(%arg0: i32, %arg1: i32, %arg2: i32, %arg3: memref<4x3200xi32, #tpu.memory_space<smem>>, %arg4: memref<4x3200xi32, #tpu.memory_space<smem>>) -> (i32, i32, i32, i32, i32, i32) {
    %mul3A = arith.constant 56 : i32
    %mul3A_0 = arith.muli %arg1, %mul3A : i32
    %mul3A_1 = arith.constant 8 : i32
    %mul3A_2 = arith.muli %arg2, %mul3A_1 : i32
    %add3A = arith.addi %mul3A_0, %mul3A_2 : i32
    %add3A_3 = arith.constant 0 : i32
    %add3A_4 = arith.addi %add3A, %add3A_3 : i32
    %get3A = arith.index_cast %arg0 : i32 to index
    %get3A_5 = arith.index_cast %add3A_4 : i32 to index
    %get3A_6 = memref.load %arg3[%get3A, %get3A_5] : memref<4x3200xi32, #tpu.memory_space<smem>>
    %get3A_7 = arith.index_cast %arg0 : i32 to index
    %get3A_8 = arith.index_cast %add3A_4 : i32 to index
    %get3A_9 = memref.load %arg4[%get3A_7, %get3A_8] : memref<4x3200xi32, #tpu.memory_space<smem>>
    %c0_i32 = arith.constant 0 : i32
    %c0_i32_10 = arith.constant 0 : i32
    %c0_i32_11 = arith.constant 0 : i32
    %c0_i32_12 = arith.constant 0 : i32
    return %arg0, %get3A_6, %c0_i32, %get3A_9, %c0_i32_10, %c0_i32_11 : i32, i32, i32, i32, i32, i32
  }
  func.func @transform_1(%arg0: i32, %arg1: i32, %arg2: i32, %arg3: memref<4x3200xi32, #tpu.memory_space<smem>>, %arg4: memref<4x3200xi32, #tpu.memory_space<smem>>) -> (i32, i32, i32, i32, i32, i32) {
    %mul3A = arith.constant 56 : i32
    %mul3A_0 = arith.muli %arg1, %mul3A : i32
    %mul3A_1 = arith.constant 8 : i32
    %mul3A_2 = arith.muli %arg2, %mul3A_1 : i32
    %add3A = arith.addi %mul3A_0, %mul3A_2 : i32
    %add3A_3 = arith.constant 1 : i32
    %add3A_4 = arith.addi %add3A, %add3A_3 : i32
    %get3A = arith.index_cast %arg0 : i32 to index
    %get3A_5 = arith.index_cast %add3A_4 : i32 to index
    %get3A_6 = memref.load %arg3[%get3A, %get3A_5] : memref<4x3200xi32, #tpu.memory_space<smem>>
    %get3A_7 = arith.index_cast %arg0 : i32 to index
    %get3A_8 = arith.index_cast %add3A_4 : i32 to index
    %get3A_9 = memref.load %arg4[%get3A_7, %get3A_8] : memref<4x3200xi32, #tpu.memory_space<smem>>
    %c0_i32 = arith.constant 0 : i32
    %c0_i32_10 = arith.constant 0 : i32
    %c0_i32_11 = arith.constant 0 : i32
    %c0_i32_12 = arith.constant 0 : i32
    return %arg0, %get3A_6, %c0_i32, %get3A_9, %c0_i32_10, %c0_i32_11 : i32, i32, i32, i32, i32, i32
  }
  func.func @transform_2(%arg0: i32, %arg1: i32, %arg2: i32, %arg3: memref<4x3200xi32, #tpu.memory_space<smem>>, %arg4: memref<4x3200xi32, #tpu.memory_space<smem>>) -> (i32, i32, i32, i32, i32, i32) {
    %mul3A = arith.constant 56 : i32
    %mul3A_0 = arith.muli %arg1, %mul3A : i32
    %mul3A_1 = arith.constant 8 : i32
    %mul3A_2 = arith.muli %arg2, %mul3A_1 : i32
    %add3A = arith.addi %mul3A_0, %mul3A_2 : i32
    %add3A_3 = arith.constant 2 : i32
    %add3A_4 = arith.addi %add3A, %add3A_3 : i32
    %get3A = arith.index_cast %arg0 : i32 to index
    %get3A_5 = arith.index_cast %add3A_4 : i32 to index
    %get3A_6 = memref.load %arg3[%get3A, %get3A_5] : memref<4x3200xi32, #tpu.memory_space<smem>>
    %get3A_7 = arith.index_cast %arg0 : i32 to index
    %get3A_8 = arith.index_cast %add3A_4 : i32 to index
    %get3A_9 = memref.load %arg4[%get3A_7, %get3A_8] : memref<4x3200xi32, #tpu.memory_space<smem>>
    %c0_i32 = arith.constant 0 : i32
    %c0_i32_10 = arith.constant 0 : i32
    %c0_i32_11 = arith.constant 0 : i32
    %c0_i32_12 = arith.constant 0 : i32
    return %arg0, %get3A_6, %c0_i32, %get3A_9, %c0_i32_10, %c0_i32_11 : i32, i32, i32, i32, i32, i32
  }
  func.func @transform_3(%arg0: i32, %arg1: i32, %arg2: i32, %arg3: memref<4x3200xi32, #tpu.memory_space<smem>>, %arg4: memref<4x3200xi32, #tpu.memory_space<smem>>) -> (i32, i32, i32, i32, i32, i32) {
    %mul3A = arith.constant 56 : i32
    %mul3A_0 = arith.muli %arg1, %mul3A : i32
    %mul3A_1 = arith.constant 8 : i32
    %mul3A_2 = arith.muli %arg2, %mul3A_1 : i32
    %add3A = arith.addi %mul3A_0, %mul3A_2 : i32
    %add3A_3 = arith.constant 3 : i32
    %add3A_4 = arith.addi %add3A, %add3A_3 : i32
    %get3A = arith.index_cast %arg0 : i32 to index
    %get3A_5 = arith.index_cast %add3A_4 : i32 to index
    %get3A_6 = memref.load %arg3[%get3A, %get3A_5] : memref<4x3200xi32, #tpu.memory_space<smem>>
    %get3A_7 = arith.index_cast %arg0 : i32 to index
    %get3A_8 = arith.index_cast %add3A_4 : i32 to index
    %get3A_9 = memref.load %arg4[%get3A_7, %get3A_8] : memref<4x3200xi32, #tpu.memory_space<smem>>
    %c0_i32 = arith.constant 0 : i32
    %c0_i32_10 = arith.constant 0 : i32
    %c0_i32_11 = arith.constant 0 : i32
    %c0_i32_12 = arith.constant 0 : i32
    return %arg0, %get3A_6, %c0_i32, %get3A_9, %c0_i32_10, %c0_i32_11 : i32, i32, i32, i32, i32, i32
  }
  func.func @transform_4(%arg0: i32, %arg1: i32, %arg2: i32, %arg3: memref<4x3200xi32, #tpu.memory_space<smem>>, %arg4: memref<4x3200xi32, #tpu.memory_space<smem>>) -> (i32, i32, i32, i32, i32, i32) {
    %mul3A = arith.constant 56 : i32
    %mul3A_0 = arith.muli %arg1, %mul3A : i32
    %mul3A_1 = arith.constant 8 : i32
    %mul3A_2 = arith.muli %arg2, %mul3A_1 : i32
    %add3A = arith.addi %mul3A_0, %mul3A_2 : i32
    %add3A_3 = arith.constant 4 : i32
    %add3A_4 = arith.addi %add3A, %add3A_3 : i32
    %get3A = arith.index_cast %arg0 : i32 to index
    %get3A_5 = arith.index_cast %add3A_4 : i32 to index
    %get3A_6 = memref.load %arg3[%get3A, %get3A_5] : memref<4x3200xi32, #tpu.memory_space<smem>>
    %get3A_7 = arith.index_cast %arg0 : i32 to index
    %get3A_8 = arith.index_cast %add3A_4 : i32 to index
    %get3A_9 = memref.load %arg4[%get3A_7, %get3A_8] : memref<4x3200xi32, #tpu.memory_space<smem>>
    %c0_i32 = arith.constant 0 : i32
    %c0_i32_10 = arith.constant 0 : i32
    %c0_i32_11 = arith.constant 0 : i32
    %c0_i32_12 = arith.constant 0 : i32
    return %arg0, %get3A_6, %c0_i32, %get3A_9, %c0_i32_10, %c0_i32_11 : i32, i32, i32, i32, i32, i32
  }
  func.func @transform_5(%arg0: i32, %arg1: i32, %arg2: i32, %arg3: memref<4x3200xi32, #tpu.memory_space<smem>>, %arg4: memref<4x3200xi32, #tpu.memory_space<smem>>) -> (i32, i32, i32, i32, i32, i32) {
    %mul3A = arith.constant 56 : i32
    %mul3A_0 = arith.muli %arg1, %mul3A : i32
    %mul3A_1 = arith.constant 8 : i32
    %mul3A_2 = arith.muli %arg2, %mul3A_1 : i32
    %add3A = arith.addi %mul3A_0, %mul3A_2 : i32
    %add3A_3 = arith.constant 5 : i32
    %add3A_4 = arith.addi %add3A, %add3A_3 : i32
    %get3A = arith.index_cast %arg0 : i32 to index
    %get3A_5 = arith.index_cast %add3A_4 : i32 to index
    %get3A_6 = memref.load %arg3[%get3A, %get3A_5] : memref<4x3200xi32, #tpu.memory_space<smem>>
    %get3A_7 = arith.index_cast %arg0 : i32 to index
    %get3A_8 = arith.index_cast %add3A_4 : i32 to index
    %get3A_9 = memref.load %arg4[%get3A_7, %get3A_8] : memref<4x3200xi32, #tpu.memory_space<smem>>
    %c0_i32 = arith.constant 0 : i32
    %c0_i32_10 = arith.constant 0 : i32
    %c0_i32_11 = arith.constant 0 : i32
    %c0_i32_12 = arith.constant 0 : i32
    return %arg0, %get3A_6, %c0_i32, %get3A_9, %c0_i32_10, %c0_i32_11 : i32, i32, i32, i32, i32, i32
  }
  func.func @transform_6(%arg0: i32, %arg1: i32, %arg2: i32, %arg3: memref<4x3200xi32, #tpu.memory_space<smem>>, %arg4: memref<4x3200xi32, #tpu.memory_space<smem>>) -> (i32, i32, i32, i32, i32, i32) {
    %mul3A = arith.constant 56 : i32
    %mul3A_0 = arith.muli %arg1, %mul3A : i32
    %mul3A_1 = arith.constant 8 : i32
    %mul3A_2 = arith.muli %arg2, %mul3A_1 : i32
    %add3A = arith.addi %mul3A_0, %mul3A_2 : i32
    %add3A_3 = arith.constant 6 : i32
    %add3A_4 = arith.addi %add3A, %add3A_3 : i32
    %get3A = arith.index_cast %arg0 : i32 to index
    %get3A_5 = arith.index_cast %add3A_4 : i32 to index
    %get3A_6 = memref.load %arg3[%get3A, %get3A_5] : memref<4x3200xi32, #tpu.memory_space<smem>>
    %get3A_7 = arith.index_cast %arg0 : i32 to index
    %get3A_8 = arith.index_cast %add3A_4 : i32 to index
    %get3A_9 = memref.load %arg4[%get3A_7, %get3A_8] : memref<4x3200xi32, #tpu.memory_space<smem>>
    %c0_i32 = arith.constant 0 : i32
    %c0_i32_10 = arith.constant 0 : i32
    %c0_i32_11 = arith.constant 0 : i32
    %c0_i32_12 = arith.constant 0 : i32
    return %arg0, %get3A_6, %c0_i32, %get3A_9, %c0_i32_10, %c0_i32_11 : i32, i32, i32, i32, i32, i32
  }
  func.func @transform_7(%arg0: i32, %arg1: i32, %arg2: i32, %arg3: memref<4x3200xi32, #tpu.memory_space<smem>>, %arg4: memref<4x3200xi32, #tpu.memory_space<smem>>) -> (i32, i32, i32, i32, i32, i32) {
    %mul3A = arith.constant 56 : i32
    %mul3A_0 = arith.muli %arg1, %mul3A : i32
    %mul3A_1 = arith.constant 8 : i32
    %mul3A_2 = arith.muli %arg2, %mul3A_1 : i32
    %add3A = arith.addi %mul3A_0, %mul3A_2 : i32
    %add3A_3 = arith.constant 7 : i32
    %add3A_4 = arith.addi %add3A, %add3A_3 : i32
    %get3A = arith.index_cast %arg0 : i32 to index
    %get3A_5 = arith.index_cast %add3A_4 : i32 to index
    %get3A_6 = memref.load %arg3[%get3A, %get3A_5] : memref<4x3200xi32, #tpu.memory_space<smem>>
    %get3A_7 = arith.index_cast %arg0 : i32 to index
    %get3A_8 = arith.index_cast %add3A_4 : i32 to index
    %get3A_9 = memref.load %arg4[%get3A_7, %get3A_8] : memref<4x3200xi32, #tpu.memory_space<smem>>
    %c0_i32 = arith.constant 0 : i32
    %c0_i32_10 = arith.constant 0 : i32
    %c0_i32_11 = arith.constant 0 : i32
    %c0_i32_12 = arith.constant 0 : i32
    return %arg0, %get3A_6, %c0_i32, %get3A_9, %c0_i32_10, %c0_i32_11 : i32, i32, i32, i32, i32, i32
  }
  func.func @transform_8(%arg0: i32, %arg1: i32, %arg2: i32, %arg3: memref<4x3200xi32, #tpu.memory_space<smem>>, %arg4: memref<4x3200xi32, #tpu.memory_space<smem>>) -> (i32, i32, i32, i32, i32, i32) {
    %c0_i32 = arith.constant 0 : i32
    %c0_i32_0 = arith.constant 0 : i32
    %c0_i32_1 = arith.constant 0 : i32
    %c0_i32_2 = arith.constant 0 : i32
    return %arg0, %arg1, %c0_i32, %arg2, %c0_i32_0, %c0_i32_1 : i32, i32, i32, i32, i32, i32
  }
  func.func @transform_9(%arg0: i32, %arg1: i32, %arg2: i32, %arg3: memref<4x3200xi32, #tpu.memory_space<smem>>, %arg4: memref<4x3200xi32, #tpu.memory_space<smem>>) -> (i32, i32, i32, i32, i32, i32) {
    %c0_i32 = arith.constant 0 : i32
    %c0_i32_0 = arith.constant 0 : i32
    %c0_i32_1 = arith.constant 0 : i32
    %c0_i32_2 = arith.constant 0 : i32
    return %arg0, %arg1, %c0_i32, %arg2, %c0_i32_0, %c0_i32_1 : i32, i32, i32, i32, i32, i32
  }
}

</mosaic_0001>

<sc_bundles>
// kernel: gather_offload_async_start
scs
__scs_entry_jumppad:
0x0: {  	(pc) =	sbr.rel $0x88, $3  }
0x1: {  	(tag) =	ssettag $0x0;
	lr =	simm.s32 $0x1  }
0x2: {  	[smem:$0x3F98] =	sst lr;
	_ =	strace $0xD0000000  }
0x3: {  	_ = 	snop  }
0x4: {  	_ = 	snop  }
0x5: {  	_ = 	snop  }
0x6: {  	_ = 	snop  }
0x7: {  	_ = 	snop  }
__scs_overlays_trampoline_lowered:
0x8: {  	[smem:$0x3FA7] =	sst s0  }
0x9: {  	[smem:$0x3FA8] =	sst s1  }
0xa: {  	[smem:$0x3FA9] =	sst s2  }
0xb: {  	[smem:$0x3FAA] =	sst s3  }
0xc: {  	[smem:$0x3FAB] =	sst s4  }
0xd: {  	[smem:$0x3FAC] =	sst s5  }
0xe: {  	[smem:$0x3FAD] =	sst s6  }
0xf: {  	[smem:$0x3FAE] =	sst s7  }
0x10: {  	[smem:$0x3FAF] =	sst s8  }
0x11: {  	[smem:$0x3FB0] =	sst s9;
	s0 =	simm.s32 @!p0 $0x0  }
0x12: {  	s1 =	sld [smem:$0x3F96];
	s0 =	simm.s32 @p0 $0x1  }
0x13: {  	[smem:$0x3FB1] =	sst s0;
	s0 =	simm.s32 @!p1 $0x0  }
0x14: {  	s2 =	sld [smem:$0x3F95];
	s0 =	simm.s32 @p1 $0x1  }
0x15: {  	[smem:$0x3FB2] =	sst s0;
	s0 =	simm.s32 @!p2 $0x0  }
0x16: {  	s3 =	sld [smem:$0x3FDB];
	s0 =	simm.s32 @p2 $0x1  }
0x17: {  	s4 =	simm.s32 $0x1BF5;
	[smem:$0x3FB4] =	sst s0  }
0x18: {  	s0 =	sld [smem:$0x3F97];
	_ =	swait.ge [sflag:s4], $0x0  }
0x19: {  	s7 =	sld [smem:$0x3F98]  }
0x1a: {  	s8 =	sadd.s32 $0xFFFFE003, lr  }
0x1b: {  	s9 =	sadd.s32 $0xFFFFFEF7, lr;
	s5 =	simm.s32 $0xFFFFFFFF;
	p2 =	slt.u32 s8, $0xFFFFF086  }
0x1c: {  	p1 =	slt.u32 s9, $0xF7A;
	s5 =	simm.s32 @!p2 $0x0  }
0x1d: {  	s5 =	simm.s32 @p1 $0x1;
	p0 =	seq.s32 s7, s2  }
0x1e: {  	s7 =	smul.u32 @!p0 $0xF7A, s2;
	p2 =	seq.s32 @!p0 s5, $0x0  }
0x1f: {  	s9 =	smul.u32 $0xF7A, s1;
	s8 =	simm.s32 @!p0 $0x1BF5;
	p2 =	por !p2, p0  }
0x20: {  	[sflag:s8] =	ssyncset.s32 @!p0 $0xFFFFF086;
	s6 =	sadd.s32 @!p0 s3, s7;
	s7 =	simm.s32 @!p0 $0x108  }
0x21: {  	s3 =	sadd.s32 s3, s9;
	s6 =	sadd.s32 @!p0 $0x88, s6;
	s7 =	simm.s32 @p2 $0x1082  }
0x22: {  	[simem:s7], [sflag:s8] =	dma.local @!p0 [hbm:s6], $0xF7A  }
0x23: {  	s9 =	sor.u32 $0xD0000000, s2;
	s6 =	simm.s32 $0x108;
	_ =	swait.ge @!p0 [sflag:s8], $0x0  }
0x24: {  	s3 =	sadd.s32 $0x88, s3;
	s6 =	simm.s32 @!p1 $0x1082;
	[sflag:s4] =	ssyncset.s32 $0xFFFFF086  }
0x25: {  	[simem:s6], [sflag:s4] =	dma.local [hbm:s3], $0xF7A  }
0x26: {  	[smem:$0x3F98] =	sst s1;
	(tag) =	ssettag s2;
	_ =	strace s9  }
0x27: {  	s1 =	sld [smem:$0x3FA8]  }
0x28: {  	s2 =	sld [smem:$0x3FA9]  }
0x29: {  	s4 =	sld [smem:$0x3FAB]  }
0x2a: {  	p0 =	seq.s32 s5, $0x0;
	s5 =	sld [smem:$0x3FAC]  }
0x2b: {  	s6 =	sld [smem:$0x3FAD]  }
0x2c: {  	s7 =	sld [smem:$0x3FAE]  }
0x2d: {  	s3 =	simm.s32 $0x108;
	s8 =	sld [smem:$0x3FAF]  }
0x2e: {  	s3 =	simm.s32 @!p0 $0x1082;
	s9 =	sld [smem:$0x3FB0]  }
0x2f: {  	lr =	sadd.s32 s0, s3;
	s0 =	sld [smem:$0x3FA7]  }
0x30: {  	s3 =	sld [smem:$0x3FAA]  }
0x31: {  	[smem:$0x3FB3] =	sst s10  }
0x32: {  	s10 =	sld [smem:$0x3FB1];
	_ =	sdelay $0x3  }
0x33: {  	p0 =	seq.s32 s10, $0x1;
	s10 =	sld [smem:$0x3FB3];
	_ =	sdelay $0x3  }
0x34: {  	[smem:$0x3FB3] =	sst s10  }
0x35: {  	s10 =	sld [smem:$0x3FB2];
	_ =	sdelay $0x3  }
0x36: {  	p1 =	seq.s32 s10, $0x1;
	s10 =	sld [smem:$0x3FB3];
	_ =	sdelay $0x3  }
0x37: {  	[smem:$0x3FB3] =	sst s10  }
0x38: {  	s10 =	sld [smem:$0x3FB4]  }
0x39: {  	_ = 	snop;
	(pc) =	sbr.ind lr, $3  }
0x3a: {  	_ = 	snop  }
0x3b: {  	_ = 	snop  }
0x3c: {  	p2 =	seq.s32 s10, $0x1;
	s10 =	sld [smem:$0x3FB3]  }
0x3d: {  	_ =	shalt  }
0x3e: {  	_ =	shalt  }
0x3f: {  	_ =	shalt  }
0x40: {  	_ =	shalt  }
0x41: {  	_ =	shalt  }
0x42: {  	_ =	shalt  }
0x43: {  	_ =	shalt  }
0x44: {  	_ =	shalt  }
0x45: {  	_ =	shalt  }
0x46: {  	_ =	shalt  }
0x47: {  	_ =	shalt  }
0x48: {  	_ =	shalt  }
0x49: {  	_ =	shalt  }
0x4a: {  	_ =	shalt  }
0x4b: {  	_ =	shalt  }
0x4c: {  	_ =	shalt  }
0x4d: {  	_ =	shalt  }
0x4e: {  	_ =	shalt  }
0x4f: {  	_ =	shalt  }
0x50: {  	_ =	shalt  }
0x51: {  	_ =	shalt  }
0x52: {  	_ =	shalt  }
0x53: {  	_ =	shalt  }
0x54: {  	_ =	shalt  }
0x55: {  	_ =	shalt  }
0x56: {  	_ =	shalt  }
0x57: {  	_ =	shalt  }
0x58: {  	_ =	shalt  }
0x59: {  	_ =	shalt  }
0x5a: {  	_ =	shalt  }
0x5b: {  	_ =	shalt  }
0x5c: {  	_ =	shalt  }
0x5d: {  	_ =	shalt  }
0x5e: {  	_ =	shalt  }
0x5f: {  	_ =	shalt  }
0x60: {  	_ =	shalt  }
0x61: {  	_ =	shalt  }
0x62: {  	_ =	shalt  }
0x63: {  	_ =	shalt  }
0x64: {  	_ =	shalt  }
0x65: {  	_ =	shalt  }
0x66: {  	_ =	shalt  }
0x67: {  	_ =	shalt  }
0x68: {  	_ =	shalt  }
0x69: {  	_ =	shalt  }
0x6a: {  	_ =	shalt  }
0x6b: {  	_ =	shalt  }
0x6c: {  	_ =	shalt  }
0x6d: {  	_ =	shalt  }
0x6e: {  	_ =	shalt  }
0x6f: {  	_ =	shalt  }
0x70: {  	_ =	shalt  }
0x71: {  	_ =	shalt  }
0x72: {  	_ =	shalt  }
0x73: {  	_ =	shalt  }
0x74: {  	_ =	shalt  }
0x75: {  	_ =	shalt  }
0x76: {  	_ =	shalt  }
0x77: {  	_ =	shalt  }
0x78: {  	_ =	shalt  }
0x79: {  	_ =	shalt  }
0x7a: {  	_ =	shalt  }
0x7b: {  	_ =	shalt  }
0x7c: {  	_ =	shalt  }
0x7d: {  	_ =	shalt  }
0x7e: {  	_ =	shalt  }
0x7f: {  	_ =	shalt  }
0x80: {  	_ =	shalt  }
0x81: {  	_ =	shalt  }
0x82: {  	_ =	shalt  }
0x83: {  	_ =	shalt  }
0x84: {  	_ =	shalt  }
0x85: {  	_ =	shalt  }
0x86: {  	_ =	shalt  }
0x87: {  	_ =	shalt  }
.Lfunc_end0:
.L_simem_size_0:
called_computation.2_lowered:
.L_overlay_start_0:
0x88: {  	s2 =	sld [smem:$0x3FD9]  }
0x89: {  	s3 =	sld [smem:$0x3FFE];
	_ =	sdelay $0x1  }
0x8a: {  	s1 =	srdreg.scid  }
0x8b: {  	s0 =	sand.u32 $0x1, s1  }
0x8c: {  	s17 =	sshll.u32 s0, $0xA;
	s2 =	sadd.s32 s3, s2  }
0x8d: {  	s2 =	sadd.s32 s2, s17  }
0x8e: {  	[smem:$0x3FBF] =	sst s2  }
0x8f: {  	_ = 	snop  }
0x90: {  	s2 =	sld [smem:$0x3FD0];
	(tm) =	ssettm $0x1  }
0x91: {  	s18 =	sld [smem:$0x3FFB];
	_ =	sdelay $0x3  }
0x92: {  	_ =	strace s18  }
0x93: {  	s3 =	sld [smem:$0x3FFC];
	_ =	sdelay $0x3  }
0x94: {  	_ =	strace s3  }
0x95: {  	s3 =	sld [smem:$0x3FFD];
	_ =	sdelay $0x3  }
0x96: {  	_ =	strace s3  }
0x97: {  	_ =	strace $0x8FFFFFFF  }
0x98: {  	s19 =	sld [smem:$0x3FDB];
	_ =	sdelay $0x1  }
0x99: {  	s4 =	simm.s32 $_scs_section_size  }
0x9a: {  	s5 =	simm.s32 $_size__tile_overlayer_lowered;
	s6 =	simm.s32 $_tile_overlayer_lowered  }
0x9b: {  	s22 =	simm.s32 $0x1BFF;
	s21 =	sshll.u32 s6, $0x1;
	s3 =	sadd.s32 s4, s19  }
0x9c: {  	s7 =	simm.s32 $0x0;
	s20 =	sshll.u32 s5, $0x1;
	s5 =	sadd.s32 s21, s3  }
0x9d: {  	[timem:s7], [sflag:s22] =	dma.local [hbm:s5], s20  }
0x9e: {  	_ =	swait.ge [sflag:s22], s20  }
0x9f: {  	s4 =	ssub.s32 $0x0, s20;
	[sflag:s22] =	ssyncset.done $0x0  }
0xa0: {  	[sflag:s22] =	ssyncadd.s32 s4;
	_ =	sdelay $0x1  }
0xa1: {  	s23 =	simm.s32 $0x1B8B  }
0xa2: {  	_ =	swait.ge [sflag:s23], $0x1  }
0xa3: {  	[sflag:s23] =	ssyncset.done $0x0  }
0xa4: {  	s25 =	simm.s32 $0x1B8E;
	s24 =	sld [smem:$0x3FFE];
	[sflag:s23] =	ssyncadd.s32 $0xFFFFFFFF  }
0xa5: {  	s26 =	simm.s32 $execute0_lowered;
	[smem:$0x3FD2] =	sst s25  }
0xa6: {  	s5 =	sshll.u32 s26, $0x1;
	_ =	strace $0x80000046;
	[dreg:$0x1] =	wrdreg $0xFFFFFFFF  }
0xa7: {  	s28 =	simm.s32 $_size_execute0_lowered;
	s3 =	sadd.s32 s3, s5;
	[dreg:$0x0] =	wrdreg $0x0  }
0xa8: {  	s5 =	sshll.u32 s28, $0x1;
	[dreg:$0x2] =	wrdreg s3  }
0xa9: {  	[dreg:$0x3] =	wrdreg s5  }
0xaa: {  	[dreg:$0x4] =	wrdreg $0xC0  }
0xab: {  	_ =	task [dreg:s7], $0x5FFFF  }
0xac: {  	[dreg:$0x1] =	wrdreg $0xFFFFFFFF  }
0xad: {  	[dreg:$0x0] =	wrdreg $0x60  }
0xae: {  	[dreg:$0x2] =	wrdreg s2  }
0xaf: {  	[dreg:$0x3] =	wrdreg s24  }
0xb0: {  	[dreg:$0x4] =	wrdreg $0xA  }
0xb1: {  	_ =	task.clear_ibuf [dreg:s7], $0x5FFFF;
	_ =	strace $0x90000046  }
0xb2: {  	s29 =	simm.s32 $0xA;
	_ =	strace $0x80000048  }
0xb3: {  	_ =	swait.ge [sflag:s29], $0x1  }
0xb4: {  	[sflag:s29] =	ssyncadd.s32 $0xFFFFFFFF  }
0xb5: {  	_ =	strace $0x90000048  }
0xb6: {  	_ =	sfence  }
0xb7: {  	s30 =	sld [smem:$0x0];
	_ =	sdelay $0x2  }
0xb8: {  	s31 =	sshll.u32 s1, $0xD;
	s1 =	sshrl.u32 s1, $0x2  }
0xb9: {  	s3 =	sand.u32 $0x4000, s31;
	s1 =	sadd.s32 s1, s30  }
0xba: {  	s0 =	sor.u32 s3, s0;
	s1 =	sshll.u32 s1, $0x11  }
0xbb: {  	s0 =	sor.u32 s1, s0  }
0xbc: {  	s0 =	sadd.s32 $0x8F2B, s0  }
0xbd: {  	[sflag:s0] =	ssyncadd.remote.s32 $0x1  }
0xbe: {  	_ =	sfence.sel $0xFFFF  }
0xbf: {  	[dreg:$0x0] =	wrdreg $0xFFFFFFFF;
	(pc) =	sbr.abs _section_cstart, $3  }
0xc0: {  	[dreg:$0x1] =	wrdreg $0xFFFFFFFF  }
0xc1: {  	_ =	task.clear_ibuf [dreg:s7], $0x2FFFF;
	_ =	strace $0x9FFFFFFF  }
0xc2: {  	(tm) =	ssettm $0x7FFFFFFF  }
0xc3: {  	_ =	shalt  }
tec
execute0_lowered:
.L_overlay_start_1:
0x0: {  	(tag) =	ssettag $0x1  }
0x1: {  	s2 =	rddreg [dreg:$0x0];
	s0 =	srdreg.scid  }
0x2: {  	s6 =	rddreg [dreg:$0x1];
	s1 =	stileid.u32;
	s4 =	simm.s32 $0x1  }
0x3: {  	s7 =	simm.s32 $0x2;
	s9 =	simm.s32 $0x3;
	s14 =	simm.s32 $0x0  }
0x4: {  	s10 =	simm.s32 $0x308;
	s3 =	sshll.u32 s0, $0x4;
	s0 =	rddreg [dreg:$0x2]  }
.Ltmp0:
0x5: {  	_ =	strace $0x80000047;
	s3 =	sand.u32 $0x10, s3;
	(pc) =	sbr.rel .LBB2_1-.Ltmp0, $4  }
0x6: {  	s11 =	simm.s32 $0x18710;
	[sflag:s4] =	ssyncpa.u1 $0x0;
	s5 =	sor.u32 s1, s3  }
0x7: {  	s12 =	simm.s32 $0x0;
	[sflag:s7] =	ssyncpa.u1 $0x0;
	s5 =	smul.u32 $0x188, s5  }
0x8: {  	s3 =	sadd.s32 $0x2600, s6;
	s6 =	sadd.s32 $0x2E00, s6;
	[sflag:s9] =	ssyncpa.u1 $0x0  }
0x9: {  	vm0 =	vmmov $0xff;
	vm1 =	vcmask $0x3F20;
	s9 =	simm.s32 $0x188;
	s8 =	sadd.s32 $0x188, s5;
	s13 =	smov.u32 s5  }
.LBB2_10:
0xa: {  	s14 =	sshrl.u32 s13, $0x3  }
0xb: {  	s15 =	sand.u32 $0x7, s13;
	s14 =	sadd.s32 s3, s14  }
0xc: {  	[tilespmem:s9], [sflag:$0x2] =	stream.linear.gather [hbm4b:s14+s15], $0x188, $0x38;
	[tilespmem:$0x18B10] =	vst v63  }
.LBB2_8:
0xd: {  	s14 =	sadd.s32 $0x188, s13  }
0xe: {  	s15 =	smov.u32 s5;
	p0 =	slt.s32 s14, s8  }
0xf: {  	s15 =	smov.u32 @p0 s14  }
0x10: {  	s12 =	sadd.s32 $0x1, s12;
	s14 =	smov.u32 s13;
	s13 =	smov.u32 s15  }
.LBB2_1:
0x11: {  	p0 =	seq.s32 s12, $0x0  }
.Ltmp1:
0x12: {  	_ = 	snop;
	(pc) =	sbr.rel @p0 .LBB2_10-.Ltmp1, $1  }
0x13: {  	_ =	sdelay $0x3  }
0x14: {  	p0 =	seq.s32 s12, $0x1  }
.Ltmp2:
0x15: {  	_ = 	snop;
	(pc) =	sbr.rel @!p0 .LBB2_9-.Ltmp2, $1  }
0x16: {  	_ =	sdelay $0x3  }
0x17: {  	_ =	swait.ge [sflag:s7], $0x188  }
0x18: {  	[sflag:s7] =	ssyncset.done $0x0  }
0x19: {  	s15 =	simm.s32 $0x0;
	[sflag:s7] =	ssyncadd.s32 $0xFFFFFE78  }
0x1a: {  	v0 =	vld.msk [tilespmem:s15+$0x188 ss:$0x1], $0xffff;
	_ =	sdelay $0x4  }
0x1b: {  	v1 =	vand.u32 $0x3, v0;
	v2 =	vshll.u32 v0, $0x5  }
0x1c: {  	vm2 =	veq.s32 v0, $0x80000000;
	v0 =	vmul.u32 $0x62000, v1;
	v1 =	vand.u32 $0x7FF80, v2  }
0x1d: {  	v1 =	vsel vm2, $0xFFFFFF80, v1  }
0x1e: {  	v0 =	vsel vm2, $0xFFF9E000, v0;
	v2 =	vand.u32 $0xFFFFFC00, v1  }
0x1f: {  	v1 =	vand.u32 $0x380, v1;
	v0 =	vadd.s32 v0, v2  }
0x20: {  	v0 =	vor.u32 v1, v0  }
0x21: {  	v0 =	vshrl.u32 v0, $0x3;
	_ =	sdelay $0x3  }
0x22: {  	s15 =	simm.s32 $0xC710  }
0x23: {  	[tilespmem:s15], [sflag:$0x1] =	stream.indirect_vreg.gather [hbm:s2], $0x80, v0, vm0, $0x38;
	[tilespmem:$0x18B10] =	vst v63  }
0x24: {  	s16 =	simm.s32 $0xCB10;
	s31 =	simm.s32 $0x10  }
0x25: {  	[tilespmem:s16], [sflag:$0x1] =	stream.indirect_vreg.gather [hbm:s2], $0x80, v0, vm1, $0x38;
	[tilespmem:$0x18B10] =	vst v63  }
0x26: {  	s16 =	simm.s32 $0x80;
	v0 =	vld.msk [tilespmem:s31+$0x188 ss:$0x1], $0xffff  }
.LBB2_4:
0x27: {  	p0 =	sne.s32 s16, $0x5C0;
	_ =	sdelay $0x4  }
0x28: {  	v1 =	vand.u32 $0x3, v0;
	v2 =	vshll.u32 v0, $0x5  }
0x29: {  	vm2 =	veq.s32 v0, $0x80000000;
	v0 =	vmul.u32 $0x62000, v1;
	v1 =	vand.u32 $0x7FF80, v2  }
0x2a: {  	v1 =	vsel vm2, $0xFFFFFF80, v1  }
0x2b: {  	v0 =	vsel vm2, $0xFFF9E000, v0;
	v2 =	vand.u32 $0xFFFFFC00, v1  }
0x2c: {  	v1 =	vand.u32 $0x380, v1;
	v0 =	vadd.s32 v0, v2  }
0x2d: {  	v0 =	vor.u32 v1, v0  }
0x2e: {  	v0 =	vshrl.u32 v0, $0x3;
	_ =	sdelay $0x3  }
.Ltmp3:
0x2f: {  	s15 =	sadd.s32 $0x800, s15;
	(pc) =	sbr.rel @p0 .LBB2_4-.Ltmp3, $4  }
0x30: {  	[tilespmem:s15], [sflag:$0x1] =	stream.indirect_vreg.gather [hbm:s2], $0x80, v0, vm0, $0x38;
	[tilespmem:$0x18B10] =	vst v63  }
0x31: {  	s17 =	sshra.s32 s16, $0x2;
	s18 =	sadd.s32 $0x400, s15  }
0x32: {  	[tilespmem:s18], [sflag:$0x1] =	stream.indirect_vreg.gather [hbm:s2], $0x80, v0, vm1, $0x38;
	[tilespmem:$0x18B10] =	vst v63  }
0x33: {  	s16 =	sadd.s32 $0x40, s16;
	v0 =	vld.msk [tilespmem:s17+$0x188 ss:$0x1], $0xffff  }
0x34: {  	_ =	sdelay $0x3  }
0x35: {  	v1 =	vand.u32 $0x3, v0;
	v2 =	vshll.u32 v0, $0x5  }
0x36: {  	vm2 =	veq.s32 v0, $0x80000000;
	v56 =	vmul.u32 $0x62000, v1;
	v57 =	vand.u32 $0x7FF80, v2  }
0x37: {  	v1 =	vsel vm2, $0xFFFFFF80, v57  }
0x38: {  	v0 =	vsel vm2, $0xFFF9E000, v56;
	v58 =	vand.u32 $0xFFFFFC00, v1  }
0x39: {  	v1 =	vand.u32 $0x380, v1;
	v0 =	vadd.s32 v0, v58  }
0x3a: {  	v0 =	vor.u32 v1, v0  }
0x3b: {  	v0 =	vshrl.u32 v0, $0x3;
	_ =	sdelay $0x3  }
0x3c: {  	s15 =	sadd.s32 $0x800, s15  }
0x3d: {  	[tilespmem:s15], [sflag:$0x1] =	stream.indirect_vreg.gather [hbm:s2], $0x80, v0, vm0, $0x38;
	[tilespmem:$0x18B10] =	vst v63  }
0x3e: {  	s15 =	sadd.s32 $0x400, s15  }
0x3f: {  	[tilespmem:s15], [sflag:$0x1] =	stream.indirect_vreg.gather [hbm:s2], $0x80, v0, vm1, $0x38;
	[tilespmem:$0x18B10] =	vst v63  }
0x40: {  	v0 =	vld.msk [tilespmem:s10+$0x0 ss:$0x1], $0xff;
	_ =	sdelay $0x4  }
0x41: {  	v59 =	vand.u32 $0x3, v0;
	v60 =	vshll.u32 v0, $0x5  }
0x42: {  	vm2 =	veq.s32 v0, $0x80000000;
	v61 =	vmul.u32 $0x62000, v59;
	v62 =	vand.u32 $0x7FF80, v60  }
0x43: {  	v1 =	vsel vm2, $0xFFFFFF80, v62  }
0x44: {  	v0 =	vsel vm2, $0xFFF9E000, v61;
	v63 =	vand.u32 $0xFFFFFC00, v1  }
0x45: {  	v1 =	vand.u32 $0x380, v1;
	v0 =	vadd.s32 v0, v63  }
0x46: {  	v0 =	vor.u32 v1, v0  }
0x47: {  	v0 =	vshrl.u32 v0, $0x3;
	_ =	sdelay $0x4  }
0x48: {  	[tilespmem:s11], [sflag:$0x1] =	stream.indirect_vreg.gather [hbm:s2], $0x80, v0, vm0, $0x38;
	[tilespmem:$0x18B10] =	vst v63  }
0x49: {  	s14 =	sshll.u32 s14, $0x4;
	s16 =	simm.s32 $0x80;
	_ =	swait.ge [sflag:s4], $0xC400  }
0x4a: {  	s17 =	simm.s32 $0xCB10;
	s14 =	sadd.s32 s14, s6;
	[sflag:s4] =	ssyncset.done $0x0  }
0x4b: {  	s18 =	sadd.s32 $0x0, s14;
	s15 =	simm.s32 $0xC710;
	[sflag:s4] =	ssyncadd.s32 $0xFFFF3C00  }
.LBB2_6:
0x4c: {  	[hbm:s18] =	stream.linear.scatter [tilespmem:s15], [sflag:$0x3], $0x400, $0x38;
	[tilespmem:$0x18B10] =	vst v63  }
0x4d: {  	s18 =	smov.u32 s16;
	s15 =	smov.u32 s17;
	p0 =	seq.s32 s16, $0x1800  }
.Ltmp4:
0x4e: {  	s16 =	sadd.s32 $0x80, s16;
	(pc) =	sbr.rel @!p0 .LBB2_6-.Ltmp4, $2  }
0x4f: {  	_ =	sdelay $0x2  }
0x50: {  	s17 =	sadd.s32 $0x400, s17;
	s18 =	sadd.s32 s18, s14  }
.Ltmp5:
0x51: {  	(pc) =	sbr.rel .LBB2_8-.Ltmp5, $2  }
0x52: {  	_ =	sdelay $0x2  }
0x53: {  	[hbm:s18] =	stream.linear.scatter [tilespmem:s15], [sflag:$0x3], $0x400, $0x38;
	[tilespmem:$0x18B10] =	vst v63  }
.LBB2_9:
0x54: {  	s2 =	simm.s32 $0x3  }
0x55: {  	_ =	swait.ge [sflag:s2], $0xC400  }
0x56: {  	[sflag:s2] =	ssyncset.done $0x0  }
0x57: {  	[sflag:s2] =	ssyncadd.s32 $0xFFFF3C00  }
0x58: {  	_ =	sfence.sel $0x180000  }
0x59: {  	s3 =	simm.s32 $0x2;
	[bflag:$0x0] =	sbarrier.arrive $0xFFFF  }
0x5a: {  	[sflag:s3] =	ssyncpa.u1 $0x1  }
0x5b: {  	s31 =	simm.s32 $0x1;
	[sflag:s2] =	ssyncpa.u1 $0x1  }
0x5c: {  	[sflag:s31] =	ssyncpa.u1 $0x1  }
0x5d: {  	p0 =	sne.s32 s1, $0x0;
	_ =	strace $0x90000047  }
0x5e: {  	s0 =	sadd.s32 @!p0 $0x100000, s0;
	[bflag:$0x2] =	sbarrier.arrive $0xFFFF  }
0x5f: {  	[sflag:s0] =	ssyncadd.tile.s32 @!p0 $0x1;
	_ =	shalt  }
.Lfunc_end2:
_tile_overlayer_lowered:
.L_overlay_start_2:
0x60: {  	(tag) =	ssettag $0x2  }
0x61: {  	s0 =	rddreg [dreg:$0x0];
	s2 =	stileid.u32  }
0x62: {  	s1 =	rddreg [dreg:$0x1];
	p0 =	sne.s32 s2, $0x0  }
0x63: {  	s3 =	rddreg [dreg:$0x2];
	[bflag:$0x3] =	sbarrier.arrive $0xFFFF;
	s2 =	simm.s32 @!p0 $0x1C01  }
0x64: {  	[timem:s3], [sflag:s2] =	dma.local @!p0 [hbm:s0], s1  }
0x65: {  	s0 =	simm.s32 @!p0 $0x1  }
0x66: {  	_ =	swait.ge @!p0 [sflag:s0], s1  }
0x67: {  	s1 =	ssub.s32 @!p0 $0x0, s1;
	[sflag:s0] =	ssyncset.done @!p0 $0x0  }
0x68: {  	[sflag:s0] =	ssyncadd.s32 @!p0 s1  }
0x69: {  	[bflag:$0x3] =	sbarrier.arrive $0xFFFF  }
0x6a: {  	_ =	shalt  }

// kernel: sparse-core-data-format-call.1.cloned.1.call-start
scs
called_computation.1_lowered:
.L_overlay_start_0:
0x0: {  	s2 =	sld [smem:$0x3FD9]  }
0x1: {  	s3 =	sld [smem:$0x3FFE];
	_ =	sdelay $0x1  }
0x2: {  	s1 =	srdreg.scid  }
0x3: {  	s0 =	sand.u32 $0x1, s1  }
0x4: {  	s18 =	sshll.u32 s0, $0xA;
	s2 =	sadd.s32 s3, s2  }
0x5: {  	s2 =	sadd.s32 s2, s18  }
0x6: {  	[smem:$0x3FBF] =	sst s2  }
0x7: {  	_ = 	snop  }
0x8: {  	s19 =	sld [smem:$0x3FC9];
	(tm) =	ssettm $0x1  }
0x9: {  	s20 =	sld [smem:$0x3FFB];
	_ =	sdelay $0x3  }
0xa: {  	_ =	strace s20  }
0xb: {  	s2 =	sld [smem:$0x3FFC];
	_ =	sdelay $0x3  }
0xc: {  	_ =	strace s2  }
0xd: {  	s2 =	sld [smem:$0x3FFD];
	_ =	sdelay $0x3  }
0xe: {  	_ =	strace s2  }
0xf: {  	_ =	strace $0x8FFFFFFF  }
0x10: {  	s21 =	sld [smem:$0x3FDB];
	_ =	sdelay $0x1  }
0x11: {  	s4 =	simm.s32 $_scs_section_size  }
0x12: {  	s5 =	simm.s32 $_size__tile_overlayer_lowered;
	s6 =	simm.s32 $_tile_overlayer_lowered  }
0x13: {  	s7 =	simm.s32 $0x1BFF;
	s22 =	sshll.u32 s6, $0x1;
	s4 =	sadd.s32 s4, s21  }
0x14: {  	s23 =	simm.s32 $0x0;
	s5 =	sshll.u32 s5, $0x1;
	s6 =	sadd.s32 s22, s4  }
0x15: {  	[timem:s23], [sflag:s7] =	dma.local [hbm:s6], s5  }
0x16: {  	_ =	swait.ge [sflag:s7], s5  }
0x17: {  	s5 =	ssub.s32 $0x0, s5;
	[sflag:s7] =	ssyncset.done $0x0  }
0x18: {  	[sflag:s7] =	ssyncadd.s32 s5;
	_ =	sdelay $0x1  }
0x19: {  	s24 =	simm.s32 $0x1B8B  }
0x1a: {  	_ =	swait.ge [sflag:s24], $0x1  }
0x1b: {  	[sflag:s24] =	ssyncset.done $0x0  }
0x1c: {  	[sflag:s24] =	ssyncadd.s32 $0xFFFFFFFF  }
0x1d: {  	s5 =	sld [smem:$0x0]  }
0x1e: {  	s6 =	sand.u32 $0xFFFFFFFE, s1  }
0x1f: {  	p0 =	sne.s32 s1, s6  }
0x20: {  	s6 =	sshll.u32 @p0 s6, $0xE  }
0x21: {  	s6 =	sadd.s32 @p0 $0x11B8D, s6;
	s7 =	sshll.u32 @p0 s5, $0x11  }
0x22: {  	s6 =	sor.u32 @p0 s7, s6  }
0x23: {  	[sflag:s6] =	ssyncadd.remote.s32 @p0 $0x1;
	_ =	sdelay $0x1  }
0x24: {  	s6 =	simm.s32 @p0 $0x1B8D  }
0x25: {  	_ =	swait.eq @p0 [sflag:s6], $0x1  }
0x26: {  	[sflag:s6] =	ssyncadd.s32 @p0 $0xFFFFFFFF  }
0x27: {  	s7 =	sshll.u32 @!p0 s1, $0xE  }
0x28: {  	s7 =	sor.u32 @!p0 $0x4000, s7;
	s6 =	simm.s32 @!p0 $0x1B8D  }
0x29: {  	s5 =	sshll.u32 @!p0 s5, $0x11;
	s7 =	sadd.s32 @!p0 $0x11B8D, s7;
	_ =	swait.eq @!p0 [sflag:s6], $0x1  }
0x2a: {  	s5 =	sor.u32 @!p0 s5, s7;
	[sflag:s6] =	ssyncadd.s32 @!p0 $0xFFFFFFFF  }
0x2b: {  	s26 =	simm.s32 $0x1B8E;
	s25 =	sld [smem:$0x3FFE];
	[sflag:s5] =	ssyncadd.remote.s32 @!p0 $0x1  }
0x2c: {  	s27 =	simm.s32 $execute0_lowered;
	[smem:$0x3FD2] =	sst s26  }
0x2d: {  	s6 =	sshll.u32 s27, $0x1;
	_ =	strace $0x80000049;
	[dreg:$0x1] =	wrdreg $0xFFFFFFFF  }
0x2e: {  	s28 =	simm.s32 $_size_execute0_lowered;
	s4 =	sadd.s32 s4, s6;
	[dreg:$0x0] =	wrdreg $0x0  }
0x2f: {  	s6 =	sshll.u32 s28, $0x1;
	[dreg:$0x2] =	wrdreg s4  }
0x30: {  	[dreg:$0x3] =	wrdreg s6  }
0x31: {  	[dreg:$0x4] =	wrdreg $0xC0  }
0x32: {  	_ =	task [dreg:s23], $0x5FFFF  }
0x33: {  	[dreg:$0x1] =	wrdreg $0xFFFFFFFF  }
0x34: {  	[dreg:$0x0] =	wrdreg $0x60  }
0x35: {  	[dreg:$0x2] =	wrdreg s19  }
0x36: {  	[dreg:$0x3] =	wrdreg s25  }
0x37: {  	[dreg:$0x4] =	wrdreg $0x9  }
0x38: {  	_ =	task.clear_ibuf [dreg:s23], $0x5FFFF;
	_ =	strace $0x90000049  }
0x39: {  	s29 =	simm.s32 $0x9;
	_ =	strace $0x8000004B  }
0x3a: {  	_ =	swait.ge [sflag:s29], $0x1  }
0x3b: {  	[sflag:s29] =	ssyncadd.s32 $0xFFFFFFFF  }
0x3c: {  	_ =	strace $0x9000004B  }
0x3d: {  	_ =	sfence  }
0x3e: {  	s30 =	sld [smem:$0x0];
	_ =	sdelay $0x2  }
0x3f: {  	s31 =	sshll.u32 s1, $0xD;
	s1 =	sshrl.u32 s1, $0x2  }
0x40: {  	s4 =	sand.u32 $0x4000, s31;
	s1 =	sadd.s32 s1, s30  }
0x41: {  	s0 =	sor.u32 s4, s0;
	s1 =	sshll.u32 s1, $0x11  }
0x42: {  	s0 =	sor.u32 s1, s0  }
0x43: {  	s0 =	sadd.s32 $0x8F2B, s0  }
0x44: {  	[sflag:s0] =	ssyncadd.remote.s32 $0x1  }
0x45: {  	_ =	sfence.sel $0xFFFF  }
0x46: {  	[dreg:$0x0] =	wrdreg $0xFFFFFFFF;
	(pc) =	sbr.abs _section_cstart, $3  }
0x47: {  	[dreg:$0x1] =	wrdreg $0xFFFFFFFF  }
0x48: {  	_ =	task.clear_ibuf [dreg:s23], $0x2FFFF;
	_ =	strace $0x9FFFFFFF  }
0x49: {  	(tm) =	ssettm $0x7FFFFFFF  }
tec
execute0_lowered:
.L_overlay_start_1:
0x0: {  	(tag) =	ssettag $0x1  }
0x1: {  	s0 =	srdreg.scid;
	s1 =	rddreg [dreg:$0x1]  }
0x2: {  	s2 =	stileid.u32;
	_ =	strace $0x8000004A;
	s29 =	simm.s32 $0x1  }
0x3: {  	s31 =	simm.s32 $0x2;
	s20 =	simm.s32 $0x0;
	p0 =	por $0x0, $0x0  }
0x4: {  	s22 =	simm.s32 $0x0;
	s23 =	simm.s32 $0x0;
	s21 =	simm.s32 $0x0  }
0x5: {  	s10 =	simm.s32 $0x0;
	s14 =	simm.s32 $0x0;
	s13 =	simm.s32 $0x0  }
0x6: {  	s19 =	simm.s32 $0x0;
	s15 =	simm.s32 $0x0;
	s12 =	simm.s32 $0x0  }
0x7: {  	s0 =	sshll.u32 s0, $0x4;
	s1 =	sadd.s32 $0x33E00, s1;
	s8 =	sand.u32 $0x3, s2  }
.Ltmp0:
0x8: {  	s30 =	sshll.u32 s2, $0x5;
	[sflag:s29] =	ssyncpa.u1 $0x0;
	(pc) =	sbr.rel .LBB1_1-.Ltmp0, $4  }
0x9: {  	s0 =	sand.u32 $0x10, s0;
	[dreg:$0x3] =	wrdreg s1;
	s11 =	sand.u32 $0x80, s30  }
0xa: {  	[sflag:s31] =	ssyncpa.u1 $0x0;
	[dreg:$0x4] =	wrdreg s8;
	s0 =	sor.u32 s2, s0  }
0xb: {  	s18 =	smov.u32 s8;
	[dreg:$0x6] =	wrdreg s11;
	s9 =	sshrl.u32 s0, $0x3  }
0xc: {  	s17 =	smov.u32 s11;
	s16 =	smov.u32 s9;
	[dreg:$0x5] =	wrdreg s9  }
.LBB1_18:
0xd: {  	s1 =	rddreg [dreg:$0xc]  }
0xe: {  	s19 =	rddreg [dreg:$0xe]  }
0xf: {  	s20 =	rddreg [dreg:$0xb]  }
0x10: {  	s24 =	rddreg [dreg:$0xd]  }
0x11: {  	s25 =	rddreg [dreg:$0xf]  }
0x12: {  	p1 =	sgt.s32 s13, $0x80;
	s14 =	rddreg [dreg:$0x7]  }
0x13: {  	s0 =	smov.u32 s13;
	s2 =	smov.u32 s10;
	s28 =	rddreg [dreg:$0x3]  }
0x14: {  	s3 =	sand.u32 $0x78, s13;
	s4 =	sshll.u32 s13, $0x2;
	s8 =	rddreg [dreg:$0x4]  }
0x15: {  	s6 =	sshll.u32 s10, $0x7;
	s29 =	sand.u32 $0x7, s13;
	s9 =	rddreg [dreg:$0x5]  }
0x16: {  	s31 =	simm.s32 $0x400;
	s11 =	rddreg [dreg:$0x6];
	s0 =	simm.s32 @!p1 $0x80  }
0x17: {  	p1 =	sgt.s32 s10, $0x60;
	s26 =	sand.u32 $0x200, s4;
	s0 =	sadd.s32 s1, s0  }
0x18: {  	s27 =	smul.u32 $0x7000, s14;
	s4 =	sshll.u32 s29, $0x12;
	s1 =	sadd.s32 $0xFFFFFF80, s0  }
0x19: {  	s2 =	simm.s32 @!p1 $0x60;
	s0 =	ssub.s32 $0x100, s0;
	p2 =	sgt.s32 s1, $0x7F  }
0x1a: {  	s1 =	sadd.s32 s19, s2;
	s2 =	smul.u32 $0x4080, s25;
	s0 =	simm.s32 @p2 $0x0  }
0x1b: {  	s30 =	sor.u32 $0x80, s4;
	s19 =	rddreg [dreg:$0x8];
	s0 =	smul.u32 s20, s0  }
0x1c: {  	s23 =	sadd.s32 $0xFFFFFFA0, s1;
	s1 =	ssub.s32 $0xE0, s1;
	s5 =	sshll.u32 s19, $0x7  }
0x1d: {  	p1 =	sgt.s32 s23, $0x7F;
	s5 =	sand.u32 $0x180, s5;
	s0 =	smul.u32 s24, s0  }
0x1e: {  	s2 =	sor.u32 $0x8000, s2;
	s1 =	simm.s32 @p1 $0x0;
	s3 =	sor.u32 s3, s5  }
0x1f: {  	s0 =	smul.u32 s1, s0;
	s1 =	sor.u32 s26, s3;
	s3 =	sadd.s32 s28, s27  }
0x20: {  	s20 =	rddreg [dreg:$0x9];
	s1 =	sshrl.u32 s1, $0x3;
	s3 =	sadd.s32 s6, s3  }
0x21: {  	s23 =	rddreg [dreg:$0xa];
	s0 =	sand.u32 $0x3FFFFFFF, s0;
	s1 =	sadd.s32 s1, s3  }
0x22: {  	[hbm4b:s1+s30] =	stream.strided.scatter [tilespmem:s2], [sflag:$0x2], s0, s31, s30, $0x20;
	[tilespmem:$0x10100] =	vst v63  }
.LBB1_19:
0x23: {  	p1 =	slt.u32 s12, $0x2;
	s0 =	smov.u32 s22  }
0x24: {  	s3 =	smov.u32 s23;
	s5 =	smov.u32 s20;
	p2 =	sgt.s32 @!p1 s22, $0xDF  }
0x25: {  	s12 =	sadd.s32 $0x1, s12;
	s1 =	sshra.s32 @!p1 s22, $0x1F;
	p2 =	por !p2, p1  }
0x26: {  	p0 =	por !p0, !p0;
	s1 =	sand.u32 @!p1 s1, s22;
	s0 =	simm.s32 @p2 $0xDF  }
0x27: {  	p3 =	sgt.s32 @!p1 s21, $0x3;
	s2 =	sshra.s32 @!p1 s21, $0x1F;
	s0 =	ssub.s32 @!p1 s0, s1  }
0x28: {  	s4 =	sshra.s32 @!p1 s20, $0x1F;
	p3 =	por !p3, p1;
	s1 =	sadd.s32 @!p1 $0xFFFFFF21, s0  }
0x29: {  	s2 =	sand.u32 @!p1 s2, s21;
	p2 =	sgt.s32 @!p1 s1, $0x0;
	s1 =	smov.u32 s21  }
0x2a: {  	s4 =	sand.u32 @!p1 s4, s20;
	s1 =	simm.s32 @p3 $0x3;
	p3 =	sgt.s32 @!p1 s23, $0x80  }
0x2b: {  	s22 =	smov.u32 s14;
	s0 =	ssub.s32 @!p1 $0xE0, s0;
	p3 =	por !p3, p1  }
0x2c: {  	p2 =	por !p2, p1;
	s3 =	simm.s32 @p3 $0x80;
	p3 =	sgt.s32 @!p1 s20, $0x60  }
0x2d: {  	s1 =	ssub.s32 @!p1 s1, s2;
	s2 =	sshra.s32 @!p1 s23, $0x1F;
	p3 =	por !p3, p1  }
0x2e: {  	s0 =	simm.s32 @!p2 $0x0;
	s2 =	sand.u32 @!p1 s2, s23;
	s5 =	simm.s32 @p3 $0x60  }
0x2f: {  	s2 =	ssub.s32 @!p1 s3, s2;
	s3 =	ssub.s32 @!p1 s5, s4;
	s4 =	sadd.s32 @!p1 $0xFFFFFFFD, s1  }
0x30: {  	s5 =	sadd.s32 @!p1 $0xFFFFFF80, s2;
	s1 =	ssub.s32 @!p1 $0x4, s1;
	s2 =	ssub.s32 @!p1 $0x100, s2  }
0x31: {  	p2 =	sgt.s32 @!p1 s4, $0x0;
	p3 =	sgt.s32 @!p1 s5, $0x7F;
	s4 =	sadd.s32 @!p1 $0xFFFFFFA0, s3  }
0x32: {  	s3 =	ssub.s32 @!p1 $0xE0, s3;
	p2 =	por !p2, p1;
	p3 =	por !p3, p1  }
0x33: {  	s5 =	smov.u32 s16;
	s1 =	simm.s32 @!p2 $0x0;
	s2 =	simm.s32 @!p3 $0x0  }
0x34: {  	p2 =	sgt.s32 @!p1 s4, $0x7F;
	s1 =	smul.u32 @!p1 s1, s2;
	s2 =	sadd.s32 $0x80, s15  }
0x35: {  	s4 =	sadd.s32 $0x4, s16;
	p2 =	por !p2, p1;
	p3 =	sgt.s32 s2, $0xDF  }
0x36: {  	s3 =	simm.s32 @!p2 $0x0;
	s0 =	smul.u32 @!p1 s0, s1;
	s5 =	smov.u32 @p3 s4  }
0x37: {  	s1 =	sadd.s32 $0x100, s17;
	s4 =	smov.u32 s17;
	p2 =	sgt.s32 s5, $0xDF  }
0x38: {  	s2 =	simm.s32 @p3 $0x0;
	s0 =	smul.u32 @!p1 s3, s0;
	s4 =	smov.u32 @p2 s1  }
0x39: {  	s1 =	sadd.s32 $0x4, s18;
	s3 =	smov.u32 s18;
	p3 =	sgt.s32 s4, $0xBF  }
0x3a: {  	s14 =	smov.u32 s16;
	s21 =	smov.u32 s19;
	s3 =	smov.u32 @p3 s1  }
0x3b: {  	s19 =	smov.u32 s18;
	s5 =	smov.u32 @p2 s9;
	p2 =	sgt.s32 s3, $0x3  }
0x3c: {  	s20 =	smov.u32 s10;
	s3 =	smov.u32 @p2 s8;
	p2 =	sne.s32 s12, $0x72  }
.Ltmp1:
0x3d: {  	s23 =	smov.u32 s13;
	s10 =	smov.u32 s15;
	(pc) =	sbr.rel @!p2 .LBB1_20-.Ltmp1, $4  }
0x3e: {  	s13 =	smov.u32 s17;
	s0 =	sand.u32 @!p1 $0x3FFFFFFF, s0;
	s1 =	simm.s32 @!p1 $0x2  }
0x3f: {  	s15 =	smov.u32 s2;
	s16 =	smov.u32 s5;
	_ =	swait.ge @!p1 [sflag:s1], s0  }
0x40: {  	s4 =	smov.u32 @p3 s11;
	s0 =	ssub.s32 @!p1 $0x0, s0;
	[sflag:s1] =	ssyncset.done @!p1 $0x0  }
0x41: {  	s17 =	smov.u32 s4;
	[sflag:s1] =	ssyncadd.s32 @!p1 s0;
	s18 =	smov.u32 s3  }
.LBB1_1:
0x42: {  	p1 =	sgt.u32 s12, $0x6F  }
.Ltmp2:
0x43: {  	_ = 	snop;
	(pc) =	sbr.rel @p1 .LBB1_3-.Ltmp2, $1  }
0x44: {  	_ =	sdelay $0x3  }
0x45: {  	s0 =	sand.u32 $0x78, s15;
	s1 =	sshll.u32 s16, $0x8;
	s2 =	sshll.u32 s15, $0x3  }
0x46: {  	s3 =	sshll.u32 s16, $0x7;
	p1 =	sgt.s32 s18, $0x3;
	s25 =	sshra.s32 s18, $0x1F  }
0x47: {  	s4 =	smov.u32 s17;
	s5 =	sshra.s32 s17, $0x1F;
	s28 =	sshra.s32 s16, $0x1F  }
0x48: {  	s30 =	sshra.s32 s15, $0x1F;
	s31 =	sxor.u32 $0xFFFFFFFF, s12;
	s1 =	sand.u32 $0xFFFFF800, s1  }
0x49: {  	s2 =	sand.u32 $0xFFFFFC00, s2;
	s24 =	sand.u32 $0x300, s3;
	s3 =	sand.u32 $0x80, s3  }
0x4a: {  	s26 =	sand.u32 s5, s17;
	s29 =	sand.u32 s28, s16;
	s28 =	sand.u32 $0x7, s15  }
0x4b: {  	s1 =	sadd.s32 s1, s2;
	s0 =	sor.u32 s0, s3;
	s2 =	smov.u32 s18  }
0x4c: {  	s3 =	sand.u32 s25, s18;
	s25 =	smul.u32 $0x1C00, s17;
	s1 =	sor.u32 s24, s1  }
0x4d: {  	s2 =	simm.s32 @!p1 $0x3;
	p1 =	sgt.s32 s17, $0x40;
	s24 =	smul.u32 $0x150000, s18  }
0x4e: {  	s0 =	sshrl.u32 s0, $0x3;
	s1 =	sshrl.u32 s1, $0x8;
	s2 =	ssub.s32 s2, s3  }
0x4f: {  	s4 =	simm.s32 @!p1 $0x40;
	s27 =	smulhi.u32 $0x124924A, s1;
	s6 =	sadd.s32 $0xFFFFFFFD, s2  }
0x50: {  	s3 =	ssub.s32 s4, s26;
	s2 =	ssub.s32 $0x4, s2;
	p1 =	sgt.s32 s6, $0x0  }
0x51: {  	s4 =	sadd.s32 $0xFFFFFFC0, s3;
	s3 =	ssub.s32 $0xC0, s3;
	s6 =	sand.u32 s30, s15  }
0x52: {  	s2 =	simm.s32 @p1 $0x0;
	p1 =	sgt.s32 s4, $0x7F;
	s4 =	smov.u32 s16  }
0x53: {  	s5 =	smul.u32 $0xE0, s27;
	s3 =	simm.s32 @p1 $0x0;
	p1 =	sgt.s32 s16, $0xDF  }
0x54: {  	s27 =	rddreg [dreg:$0x0];
	s2 =	smul.u32 s2, s3;
	s4 =	simm.s32 @!p1 $0xDF  }
0x55: {  	p1 =	sgt.s32 s15, $0x80;
	s3 =	ssub.s32 s4, s29;
	s4 =	smov.u32 s15  }
0x56: {  	s1 =	ssub.s32 s1, s5;
	s7 =	sadd.s32 $0xFFFFFF21, s3;
	s4 =	simm.s32 @!p1 $0x80  }
0x57: {  	s3 =	ssub.s32 $0xE0, s3;
	p1 =	sgt.s32 s7, $0x0;
	s4 =	ssub.s32 s4, s6  }
0x58: {  	s1 =	sshll.u32 s1, $0x5;
	s3 =	simm.s32 @p1 $0x0;
	s7 =	sadd.s32 $0xFFFFFF80, s4  }
0x59: {  	s2 =	smul.u32 s3, s2;
	p1 =	sgt.s32 s7, $0x7F;
	s3 =	ssub.s32 $0x100, s4  }
0x5a: {  	s29 =	sshll.u32 s28, $0x12;
	s4 =	sadd.s32 s27, s24;
	s3 =	simm.s32 @p1 $0x0  }
0x5b: {  	s30 =	sor.u32 $0x80, s29;
	s4 =	sadd.s32 s25, s4;
	s2 =	smul.u32 s3, s2  }
0x5c: {  	s6 =	sshll.u32 s31, $0xE;
	s31 =	simm.s32 $0xE000;
	s0 =	sadd.s32 s0, s4  }
0x5d: {  	s26 =	sand.u32 $0x4000, s6;
	s0 =	sadd.s32 s1, s0;
	s2 =	sand.u32 $0x3FFFFFFF, s2  }
0x5e: {  	[tilespmem:s26], [sflag:$0x1] =	stream.strided.gather [hbm4b:s0+s30], s2, s31, s30, $0x38;
	[tilespmem:$0x10100] =	vst v63  }
.LBB1_3:
0x5f: {  	p1 =	seq.s32 s12, $0x0  }
0x60: {  	p2 =	seq.s32 @!p1 s12, $0x71  }
0x61: {  	p1 =	por p1, p2  }
.Ltmp3:
0x62: {  	_ = 	snop;
	(pc) =	sbr.rel @p1 .LBB1_19-.Ltmp3, $1  }
0x63: {  	_ =	sdelay $0x3  }
0x64: {  	[dreg:$0xa] =	wrdreg s23  }
0x65: {  	[dreg:$0x9] =	wrdreg s20;
	p1 =	sgt.s32 s19, $0x3  }
0x66: {  	s0 =	smov.u32 s19;
	s1 =	sshra.s32 s19, $0x1F;
	s6 =	ssub.s32 $0x0, s13  }
0x67: {  	s2 =	sshra.s32 s13, $0x1F;
	p2 =	sgt.s32 s14, $0xDF;
	s3 =	smov.u32 s14  }
0x68: {  	s4 =	sshra.s32 s14, $0x1F;
	p3 =	sgt.s32 s13, $0x40;
	s5 =	smov.u32 s13  }
0x69: {  	s20 =	ssub.s32 $0x0, s10;
	s23 =	sshra.s32 s10, $0x1F;
	s0 =	simm.s32 @!p1 $0x3  }
0x6a: {  	s1 =	sand.u32 s1, s19;
	s3 =	simm.s32 @!p2 $0xDF;
	s4 =	sand.u32 s4, s14  }
0x6b: {  	s2 =	sand.u32 s6, s2;
	s5 =	simm.s32 @!p3 $0x40;
	p2 =	sgt.s32 s10, $0x80  }
0x6c: {  	s24 =	sand.u32 s20, s23;
	s0 =	ssub.s32 s0, s1;
	s7 =	ssub.s32 s3, s4  }
0x6d: {  	[dreg:$0xc] =	wrdreg s2;
	s8 =	sadd.s32 s2, s5;
	s5 =	smov.u32 s10  }
0x6e: {  	s2 =	sadd.s32 $0x1, s19;
	s1 =	sadd.s32 $0xFFFFFFFD, s0;
	s6 =	ssub.s32 $0x4, s0  }
0x6f: {  	s9 =	sadd.s32 $0xFFFFFF21, s7;
	s11 =	sadd.s32 $0xFFFFFFC0, s8;
	s7 =	ssub.s32 $0xE0, s7  }
0x70: {  	s5 =	simm.s32 @!p2 $0x80;
	s0 =	ssub.s32 $0xC0, s8;
	p1 =	sgt.s32 s1, $0x0  }
0x71: {  	s1 =	sadd.s32 s24, s5;
	s6 =	simm.s32 @p1 $0x0;
	p1 =	sgt.s32 s9, $0x0  }
0x72: {  	p2 =	sgt.s32 s11, $0x7F;
	s25 =	sadd.s32 $0xFFFFFF80, s1;
	s7 =	simm.s32 @p1 $0x0  }
0x73: {  	s1 =	ssub.s32 $0x100, s1;
	p1 =	sgt.s32 s25, $0x7F;
	s26 =	smul.u32 s6, s7  }
0x74: {  	s0 =	simm.s32 @p2 $0x0;
	s1 =	simm.s32 @p1 $0x0;
	p1 =	slt.s32 s2, $0x4  }
0x75: {  	s3 =	sadd.s32 $0x80, s13;
	s2 =	simm.s32 @!p1 $0x4;
	s0 =	smul.u32 s0, s26  }
0x76: {  	p1 =	slt.s32 s3, $0xC0;
	s28 =	ssub.s32 s2, s19  }
0x77: {  	s3 =	simm.s32 @!p1 $0xC0;
	s0 =	smul.u32 s1, s0;
	s1 =	sadd.s32 $0x1, s14  }
0x78: {  	s29 =	ssub.s32 s3, s13;
	p1 =	slt.s32 s28, $0x1;
	p2 =	slt.s32 s1, $0xE0  }
0x79: {  	s1 =	simm.s32 @!p2 $0xE0;
	p2 =	slt.s32 @!p1 s29, $0x1  }
0x7a: {  	[dreg:$0x8] =	wrdreg s19;
	s30 =	ssub.s32 s1, s14;
	p2 =	por p1, p2  }
0x7b: {  	[dreg:$0x7] =	wrdreg s14;
	p3 =	slt.s32 @!p2 s30, $0x1  }
0x7c: {  	[dreg:$0xe] =	wrdreg s24;
	p2 =	por p2, p3  }
.Ltmp4:
0x7d: {  	[dreg:$0xb] =	wrdreg s6;
	(pc) =	sbr.rel @p2 .LBB1_18-.Ltmp4, $4  }
0x7e: {  	s27 =	simm.s32 $0x1;
	[dreg:$0xd] =	wrdreg s7;
	s0 =	sand.u32 $0x3FFFFFFF, s0  }
0x7f: {  	_ =	swait.ge [sflag:s27], s0  }
0x80: {  	s31 =	sand.u32 $0x1, s12;
	s0 =	ssub.s32 $0x0, s0;
	[sflag:s27] =	ssyncset.done $0x0  }
0x81: {  	[dreg:$0xf] =	wrdreg s31;
	[sflag:s27] =	ssyncadd.s32 s0  }
0x82: {  	s0 =	sadd.s32 $0x80, s10  }
0x83: {  	p2 =	slt.s32 s0, $0xE0  }
0x84: {  	s0 =	simm.s32 @!p2 $0xE0  }
0x85: {  	s1 =	simm.s32 $0x1;
	s0 =	ssub.s32 s0, s10  }
0x86: {  	s1 =	simm.s32 @!p0 $0x0;
	s3 =	sadd.s32 $0xF, s0  }
0x87: {  	s2 =	smul.u32 $0x10200, s1;
	s0 =	sshrl.u32 s3, $0x8  }
0x88: {  	s27 =	smul.u32 $0x20400, s0  }
.Ltmp5:
0x89: {  	s1 =	rddreg [dreg:$0xf];
	(pc) =	sbr.rel .LBB1_6-.Ltmp5, $4  }
0x8a: {  	s9 =	simm.s32 $0x0;
	s1 =	sshll.u32 @!p1 s1, $0xE;
	s31 =	sand.u32 $0xFFFFFFF0, s3  }
0x8b: {  	s0 =	sand.u32 @!p1 $0xFFFFFF00, s3;
	p1 =	slt.s32 s3, $0x100;
	s4 =	sadd.s32 s2, s27  }
0x8c: {  	s3 =	simm.s32 $0x0;
	s2 =	sshrl.u32 s2, $0x2;
	s4 =	sshra.s32 s4, $0x2  }
0x8d: {  	p2 =	sge.s32 s0, s31;
	s2 =	sadd.s32 $0xF8F0, s2;
	s8 =	sadd.s32 $0x8000, s4  }
.LBB1_17:
0x8e: {  	s3 =	sadd.s32 $0x1, s3  }
0x8f: {  	p3 =	sne.s32 s3, s28  }
.Ltmp6:
0x90: {  	_ = 	snop;
	(pc) =	sbr.rel @!p3 .LBB1_18-.Ltmp6, $2  }
0x91: {  	_ =	sdelay $0x2  }
0x92: {  	s9 =	sadd.s32 $0x1, s9  }
.LBB1_6:
.Ltmp7:
0x93: {  	s4 =	sand.u32 $0x3, s9;
	(pc) =	sbr.rel .LBB1_7-.Ltmp7, $4  }
0x94: {  	s5 =	sshll.u32 s3, $0x10;
	s4 =	smul.u32 $0x204, s4  }
0x95: {  	s5 =	sshra.s32 s5, $0x2  }
0x96: {  	s24 =	simm.s32 $0x0;
	s6 =	sadd.s32 s5, s1;
	s7 =	sshrl.u32 s4, $0x2  }
0x97: {  	s4 =	sadd.s32 s7, s2;
	s5 =	sadd.s32 s7, s8;
	s7 =	simm.s32 $0x0  }
.LBB1_16:
0x98: {  	s24 =	sadd.s32 $0x1, s24  }
0x99: {  	p3 =	sne.s32 s24, s29  }
.Ltmp8:
0x9a: {  	_ = 	snop;
	(pc) =	sbr.rel @!p3 .LBB1_17-.Ltmp8, $2  }
0x9b: {  	_ =	sdelay $0x2  }
0x9c: {  	s7 =	sadd.s32 $0x1, s7  }
.LBB1_7:
.Ltmp9:
0x9d: {  	(pc) =	sbr.rel .LBB1_8-.Ltmp9, $4  }
0x9e: {  	_ = 	snop  }
0x9f: {  	s14 =	sshll.u32 s24, $0x9  }
0xa0: {  	s11 =	sand.u32 $0x7F, s7;
	s25 =	simm.s32 $0x0;
	s19 =	sshra.s32 s14, $0x2  }
0xa1: {  	s26 =	sadd.s32 s11, s5;
	s14 =	sadd.s32 s11, s4;
	s23 =	sadd.s32 s19, s6  }
.LBB1_15:
0xa2: {  	s25 =	sadd.s32 $0x1, s25  }
0xa3: {  	p3 =	sne.s32 s25, s30  }
.Ltmp10:
0xa4: {  	_ = 	snop;
	(pc) =	sbr.rel @!p3 .LBB1_16-.Ltmp10, $2  }
0xa5: {  	_ =	sdelay $0x2  }
0xa6: {  	s14 =	sadd.s32 $0x4080, s14;
	s26 =	sadd.s32 $0x4080, s26  }
.LBB1_8:
.Ltmp11:
0xa7: {  	(pc) =	sbr.rel @p1 .LBB1_12-.Ltmp11, $2  }
0xa8: {  	_ =	sdelay $0x2  }
0xa9: {  	s19 =	sshll.u32 s25, $0x7  }
0xaa: {  	s11 =	sand.u32 $0x380, s19  }
0xab: {  	s11 =	sadd.s32 s11, s23  }
0xac: {  	v5 =	vld [tilespmem:s11+$0x70]  }
0xad: {  	v6 =	vld [tilespmem:s11+$0x0]  }
0xae: {  	v7 =	vld [tilespmem:s11+$0x10]  }
0xaf: {  	v1 =	vld [tilespmem:s11+$0x20]  }
0xb0: {  	v0 =	vld [tilespmem:s11+$0x30]  }
0xb1: {  	v2 =	vld [tilespmem:s11+$0x40];
	[tilespmem:s14+$0x0 ss:$0x81] =	vst.msk $0xffff, v5  }
0xb2: {  	v3 =	vld [tilespmem:s11+$0x50];
	[tilespmem:s14+$0xFFFF8710 ss:$0x81] =	vst.msk $0xffff, v6  }
0xb3: {  	v4 =	vld [tilespmem:s11+$0x60];
	[tilespmem:s14+$0xFFFF8F20 ss:$0x81] =	vst.msk $0xffff, v7  }
0xb4: {  	[tilespmem:s14+$0xFFFF9730 ss:$0x81] =	vst.msk $0xffff, v1  }
0xb5: {  	[tilespmem:s14+$0xFFFF9F40 ss:$0x81] =	vst.msk $0xffff, v0  }
0xb6: {  	p3 =	sgt.s32 s0, $0x100;
	[tilespmem:s14+$0xFFFFA750 ss:$0x81] =	vst.msk $0xffff, v2  }
.Ltmp12:
0xb7: {  	[tilespmem:s14+$0xFFFFAF60 ss:$0x81] =	vst.msk $0xffff, v3;
	(pc) =	sbr.rel @!p3 .LBB1_11-.Ltmp12, $4  }
0xb8: {  	[tilespmem:s14+$0xFFFFB770 ss:$0x81] =	vst.msk $0xffff, v4  }
0xb9: {  	[tilespmem:s14+$0xFFFFBF80 ss:$0x81] =	vst.msk $0xffff, v5  }
0xba: {  	[tilespmem:s14+$0xFFFFC790 ss:$0x81] =	vst.msk $0xffff, v6  }
0xbb: {  	s20 =	simm.s32 $0x100;
	s27 =	smov.u32 s14;
	[tilespmem:s14+$0xFFFFCFA0 ss:$0x81] =	vst.msk $0xffff, v7  }
.LBB1_10:
0xbc: {  	v5 =	vld [tilespmem:s11+$0x70];
	s20 =	sadd.s32 $0x100, s20;
	[tilespmem:s27+$0xFFFFD7B0 ss:$0x81] =	vst.msk $0xffff, v1  }
0xbd: {  	v6 =	vld [tilespmem:s11+$0x0];
	p3 =	slt.s32 s20, s0;
	[tilespmem:s27+$0xFFFFDFC0 ss:$0x81] =	vst.msk $0xffff, v0  }
0xbe: {  	v7 =	vld [tilespmem:s11+$0x10];
	[tilespmem:s27+$0xFFFFE7D0 ss:$0x81] =	vst.msk $0xffff, v2  }
0xbf: {  	v1 =	vld [tilespmem:s11+$0x20];
	[tilespmem:s27+$0xFFFFEFE0 ss:$0x81] =	vst.msk $0xffff, v3  }
0xc0: {  	v0 =	vld [tilespmem:s11+$0x30];
	[tilespmem:s27+$0xFFFFF7F0 ss:$0x81] =	vst.msk $0xffff, v4;
	s27 =	sadd.s32 $0x8100, s27  }
0xc1: {  	v2 =	vld [tilespmem:s11+$0x40];
	[tilespmem:s27+$0x0 ss:$0x81] =	vst.msk $0xffff, v5  }
0xc2: {  	[tilespmem:s27+$0xFFFF8710 ss:$0x81] =	vst.msk $0xffff, v6;
	v3 =	vld [tilespmem:s11+$0x50]  }
0xc3: {  	[tilespmem:s27+$0xFFFF8F20 ss:$0x81] =	vst.msk $0xffff, v7;
	v4 =	vld [tilespmem:s11+$0x60]  }
0xc4: {  	[tilespmem:s27+$0xFFFF9730 ss:$0x81] =	vst.msk $0xffff, v1  }
0xc5: {  	[tilespmem:s27+$0xFFFF9F40 ss:$0x81] =	vst.msk $0xffff, v0  }
0xc6: {  	[tilespmem:s27+$0xFFFFA750 ss:$0x81] =	vst.msk $0xffff, v2  }
.Ltmp13:
0xc7: {  	[tilespmem:s27+$0xFFFFAF60 ss:$0x81] =	vst.msk $0xffff, v3;
	(pc) =	sbr.rel @p3 .LBB1_10-.Ltmp13, $4  }
0xc8: {  	[tilespmem:s27+$0xFFFFB770 ss:$0x81] =	vst.msk $0xffff, v4  }
0xc9: {  	[tilespmem:s27+$0xFFFFBF80 ss:$0x81] =	vst.msk $0xffff, v5  }
0xca: {  	[tilespmem:s27+$0xFFFFC790 ss:$0x81] =	vst.msk $0xffff, v6  }
0xcb: {  	[tilespmem:s27+$0xFFFFCFA0 ss:$0x81] =	vst.msk $0xffff, v7  }
.LBB1_11:
0xcc: {  	[tilespmem:s27+$0xFFFFD7B0 ss:$0x81] =	vst.msk $0xffff, v1  }
0xcd: {  	[tilespmem:s27+$0xFFFFDFC0 ss:$0x81] =	vst.msk $0xffff, v0  }
0xce: {  	[tilespmem:s27+$0xFFFFE7D0 ss:$0x81] =	vst.msk $0xffff, v2  }
0xcf: {  	[tilespmem:s27+$0xFFFFEFE0 ss:$0x81] =	vst.msk $0xffff, v3  }
0xd0: {  	[tilespmem:s27+$0xFFFFF7F0 ss:$0x81] =	vst.msk $0xffff, v4  }
.LBB1_12:
.Ltmp14:
0xd1: {  	(pc) =	sbr.rel @p2 .LBB1_15-.Ltmp14, $1  }
0xd2: {  	_ =	sdelay $0x3  }
0xd3: {  	s11 =	sand.u32 $0x380, s19  }
0xd4: {  	s11 =	sadd.s32 s11, s23  }
0xd5: {  	v0 =	vmov s11;
	_ =	sdelay $0x2  }
0xd6: {  	s19 =	smov.u32 s0;
	s11 =	smov.u32 s26  }
.LBB1_14:
0xd7: {  	s20 =	sand.u32 $0x70, s19;
	s19 =	sadd.s32 $0x10, s19  }
0xd8: {  	v1 =	vld.idx.msk [tilespmem:v0+s20+$0x0 ss:$0x1], $0xffff;
	p3 =	slt.s32 s19, s31  }
.Ltmp15:
0xd9: {  	_ = 	snop;
	(pc) =	sbr.rel @p3 .LBB1_14-.Ltmp15, $2  }
0xda: {  	_ =	sdelay $0x2  }
0xdb: {  	[tilespmem:s11+$0x0 ss:$0x81] =	vst.msk $0xffff, v1;
	s11 =	sadd.s32 $0x810, s11  }
.Ltmp16:
0xdc: {  	_ = 	snop;
	(pc) =	sbr.rel .LBB1_15-.Ltmp16, $1  }
0xdd: {  	_ =	sdelay $0x3  }
.LBB1_20:
0xde: {  	_ =	sfence.sel $0x180000  }
0xdf: {  	s0 =	simm.s32 $0x1;
	[bflag:$0x0] =	sbarrier.arrive $0xFFFF  }
0xe0: {  	s30 =	simm.s32 $0x2;
	[sflag:s0] =	ssyncpa.u1 $0x1  }
0xe1: {  	[sflag:s30] =	ssyncpa.u1 $0x1  }
0xe2: {  	_ =	strace $0x9000004A  }
0xe3: {  	s31 =	stileid.u32;
	[bflag:$0x2] =	sbarrier.arrive $0xFFFF  }
0xe4: {  	p0 =	sne.s32 s31, $0x0;
	s0 =	rddreg [dreg:$0x2]  }
0xe5: {  	s0 =	sadd.s32 @!p0 $0x100000, s0  }
0xe6: {  	[sflag:s0] =	ssyncadd.tile.s32 @!p0 $0x1;
	_ =	shalt  }
.Lfunc_end1:
_tile_overlayer_lowered:
.L_overlay_start_2:
0xe7: {  	(tag) =	ssettag $0x2  }
0xe8: {  	s0 =	rddreg [dreg:$0x0];
	s2 =	stileid.u32  }
0xe9: {  	s1 =	rddreg [dreg:$0x1];
	p0 =	sne.s32 s2, $0x0  }
0xea: {  	s3 =	rddreg [dreg:$0x2];
	[bflag:$0x3] =	sbarrier.arrive $0xFFFF;
	s2 =	simm.s32 @!p0 $0x1C01  }
0xeb: {  	[timem:s3], [sflag:s2] =	dma.local @!p0 [hbm:s0], s1  }
0xec: {  	s0 =	simm.s32 @!p0 $0x1  }
0xed: {  	_ =	swait.ge @!p0 [sflag:s0], s1  }
0xee: {  	s1 =	ssub.s32 @!p0 $0x0, s1;
	[sflag:s0] =	ssyncset.done @!p0 $0x0  }
0xef: {  	[sflag:s0] =	ssyncadd.s32 @!p0 s1  }
0xf0: {  	[bflag:$0x3] =	sbarrier.arrive $0xFFFF  }
0xf1: {  	_ =	shalt  }

// kernel: sparse-core-data-format-call.cloned.1.call-start
scs
called_computation_lowered:
.L_overlay_start_0:
0x0: {  	s2 =	sld [smem:$0x3FD9]  }
0x1: {  	s3 =	sld [smem:$0x3FFE];
	_ =	sdelay $0x1  }
0x2: {  	s1 =	srdreg.scid  }
0x3: {  	s0 =	sand.u32 $0x1, s1  }
0x4: {  	s18 =	sshll.u32 s0, $0xA;
	s2 =	sadd.s32 s3, s2  }
0x5: {  	s2 =	sadd.s32 s2, s18  }
0x6: {  	[smem:$0x3FBF] =	sst s2  }
0x7: {  	_ = 	snop  }
0x8: {  	s2 =	sld [smem:$0x3FD0];
	(tm) =	ssettm $0x1  }
0x9: {  	s19 =	sld [smem:$0x3FFB];
	_ =	sdelay $0x3  }
0xa: {  	_ =	strace s19  }
0xb: {  	s3 =	sld [smem:$0x3FFC];
	_ =	sdelay $0x3  }
0xc: {  	_ =	strace s3  }
0xd: {  	s3 =	sld [smem:$0x3FFD];
	_ =	sdelay $0x3  }
0xe: {  	_ =	strace s3  }
0xf: {  	_ =	strace $0x8FFFFFFF  }
0x10: {  	s20 =	sld [smem:$0x3FDB];
	_ =	sdelay $0x1  }
0x11: {  	s4 =	simm.s32 $_scs_section_size  }
0x12: {  	s5 =	simm.s32 $_size__tile_overlayer_lowered;
	s6 =	simm.s32 $_tile_overlayer_lowered  }
0x13: {  	s23 =	simm.s32 $0x1BFF;
	s22 =	sshll.u32 s6, $0x1;
	s3 =	sadd.s32 s4, s20  }
0x14: {  	s7 =	simm.s32 $0x0;
	s21 =	sshll.u32 s5, $0x1;
	s5 =	sadd.s32 s22, s3  }
0x15: {  	[timem:s7], [sflag:s23] =	dma.local [hbm:s5], s21  }
0x16: {  	_ =	swait.ge [sflag:s23], s21  }
0x17: {  	s4 =	ssub.s32 $0x0, s21;
	[sflag:s23] =	ssyncset.done $0x0  }
0x18: {  	[sflag:s23] =	ssyncadd.s32 s4;
	_ =	sdelay $0x1  }
0x19: {  	s24 =	simm.s32 $0x1B8B  }
0x1a: {  	_ =	swait.ge [sflag:s24], $0x1  }
0x1b: {  	[sflag:s24] =	ssyncset.done $0x0  }
0x1c: {  	s26 =	simm.s32 $0x1B8E;
	s25 =	sld [smem:$0x3FFE];
	[sflag:s24] =	ssyncadd.s32 $0xFFFFFFFF  }
0x1d: {  	s27 =	simm.s32 $execute0_lowered;
	[smem:$0x3FD2] =	sst s26  }
0x1e: {  	s5 =	sshll.u32 s27, $0x1;
	_ =	strace $0x8000004C;
	[dreg:$0x1] =	wrdreg $0xFFFFFFFF  }
0x1f: {  	s28 =	simm.s32 $_size_execute0_lowered;
	s3 =	sadd.s32 s3, s5;
	[dreg:$0x0] =	wrdreg $0x0  }
0x20: {  	s5 =	sshll.u32 s28, $0x1;
	[dreg:$0x2] =	wrdreg s3  }
0x21: {  	[dreg:$0x3] =	wrdreg s5  }
0x22: {  	[dreg:$0x4] =	wrdreg $0xC0  }
0x23: {  	_ =	task [dreg:s7], $0x5FFFF  }
0x24: {  	[dreg:$0x1] =	wrdreg $0xFFFFFFFF  }
0x25: {  	[dreg:$0x0] =	wrdreg $0x60  }
0x26: {  	[dreg:$0x2] =	wrdreg s25  }
0x27: {  	[dreg:$0x3] =	wrdreg s2  }
0x28: {  	[dreg:$0x4] =	wrdreg $0x9  }
0x29: {  	_ =	task.clear_ibuf [dreg:s7], $0x5FFFF;
	_ =	strace $0x9000004C  }
0x2a: {  	s29 =	simm.s32 $0x9;
	_ =	strace $0x8000004E  }
0x2b: {  	_ =	swait.ge [sflag:s29], $0x1  }
0x2c: {  	[sflag:s29] =	ssyncadd.s32 $0xFFFFFFFF  }
0x2d: {  	_ =	strace $0x9000004E  }
0x2e: {  	_ =	sfence  }
0x2f: {  	s30 =	sld [smem:$0x0];
	_ =	sdelay $0x2  }
0x30: {  	s31 =	sshll.u32 s1, $0xD;
	s1 =	sshrl.u32 s1, $0x2  }
0x31: {  	s3 =	sand.u32 $0x4000, s31;
	s1 =	sadd.s32 s1, s30  }
0x32: {  	s0 =	sor.u32 s3, s0;
	s1 =	sshll.u32 s1, $0x11  }
0x33: {  	s0 =	sor.u32 s1, s0  }
0x34: {  	s0 =	sadd.s32 $0x8F2B, s0  }
0x35: {  	[sflag:s0] =	ssyncadd.remote.s32 $0x1  }
0x36: {  	_ =	sfence.sel $0xFFFF  }
0x37: {  	[dreg:$0x0] =	wrdreg $0xFFFFFFFF;
	(pc) =	sbr.abs _section_cstart, $3  }
0x38: {  	[dreg:$0x1] =	wrdreg $0xFFFFFFFF  }
0x39: {  	_ =	task.clear_ibuf [dreg:s7], $0x2FFFF;
	_ =	strace $0x9FFFFFFF  }
0x3a: {  	(tm) =	ssettm $0x7FFFFFFF  }
0x3b: {  	_ =	shalt  }
tec
execute0_lowered:
.L_overlay_start_1:
0x0: {  	(tag) =	ssettag $0x1  }
0x1: {  	s0 =	rddreg [dreg:$0x0];
	s1 =	srdreg.scid  }
0x2: {  	_ =	strace $0x8000004D;
	s30 =	stileid.u32;
	s2 =	simm.s32 $0x1  }
0x3: {  	s31 =	simm.s32 $0x2;
	s18 =	simm.s32 $0x0;
	p0 =	por $0x0, $0x0  }
0x4: {  	s19 =	simm.s32 $0x0;
	s20 =	simm.s32 $0x0;
	s21 =	simm.s32 $0x0  }
0x5: {  	s7 =	simm.s32 $0x0;
	s17 =	simm.s32 $0x0;
	s10 =	simm.s32 $0x0  }
.Ltmp0:
0x6: {  	s11 =	simm.s32 $0x0;
	s12 =	simm.s32 $0x0;
	(pc) =	sbr.rel .LBB1_1-.Ltmp0, $4  }
0x7: {  	s13 =	simm.s32 $0x0;
	s14 =	simm.s32 $0x0;
	s29 =	sshll.u32 s1, $0x4  }
0x8: {  	s9 =	simm.s32 $0x0;
	s8 =	sadd.s32 $0x621600, s0;
	s0 =	sand.u32 $0x10, s29  }
0x9: {  	[sflag:s2] =	ssyncpa.u1 $0x0;
	[dreg:$0x3] =	wrdreg s8;
	s16 =	sor.u32 s30, s0  }
0xa: {  	[sflag:s31] =	ssyncpa.u1 $0x0;
	s15 =	smov.u32 s16;
	[dreg:$0x4] =	wrdreg s16  }
.LBB1_16:
0xb: {  	s3 =	rddreg [dreg:$0xb]  }
0xc: {  	s5 =	rddreg [dreg:$0xd]  }
0xd: {  	s0 =	sshll.u32 s11, $0x8;
	s18 =	rddreg [dreg:$0xc]  }
0xe: {  	s1 =	sshll.u32 s10, $0x3;
	p1 =	sgt.s32 s10, $0x80;
	s20 =	rddreg [dreg:$0x9]  }
0xf: {  	s2 =	smov.u32 s10;
	s16 =	sshll.u32 s11, $0x7;
	s22 =	rddreg [dreg:$0xa]  }
0x10: {  	s23 =	sand.u32 $0x78, s10;
	s25 =	smul.u32 $0x1C00, s7;
	s26 =	rddreg [dreg:$0x1]  }
0x11: {  	s27 =	sand.u32 $0x7, s10;
	s31 =	simm.s32 $0xE000;
	s8 =	rddreg [dreg:$0x3]  }
0x12: {  	s0 =	sand.u32 $0xFFFFF800, s0;
	s1 =	sand.u32 $0xFFFFFC00, s1;
	s2 =	simm.s32 @!p1 $0x80  }
0x13: {  	p1 =	sgt.s32 s7, $0x40;
	s17 =	sand.u32 $0x300, s16;
	s5 =	smul.u32 $0x4080, s5  }
0x14: {  	s0 =	sadd.s32 s0, s1;
	s1 =	smov.u32 s7;
	s2 =	sadd.s32 s3, s2  }
0x15: {  	s28 =	sshll.u32 s27, $0x12;
	s1 =	simm.s32 @!p1 $0x40;
	s4 =	sadd.s32 $0xFFFFFF80, s2  }
0x16: {  	s2 =	ssub.s32 $0x100, s2;
	s0 =	sor.u32 s17, s0;
	s17 =	rddreg [dreg:$0x5]  }
0x17: {  	p1 =	sgt.s32 s4, $0x7F;
	s0 =	sshrl.u32 s0, $0x8;
	s24 =	smul.u32 $0x150000, s17  }
0x18: {  	s3 =	sand.u32 $0x80, s16;
	s2 =	simm.s32 @p1 $0x0;
	s21 =	smulhi.u32 $0x124924A, s0  }
0x19: {  	s30 =	sor.u32 $0x80, s28;
	s1 =	sadd.s32 s18, s1;
	s2 =	smul.u32 s20, s2  }
0x1a: {  	s16 =	rddreg [dreg:$0x4];
	s6 =	sadd.s32 $0xFFFFFFC0, s1;
	s4 =	smul.u32 $0xE0, s21  }
0x1b: {  	s1 =	ssub.s32 $0xC0, s1;
	p1 =	sgt.s32 s6, $0x7F;
	s2 =	smul.u32 s22, s2  }
0x1c: {  	s29 =	sor.u32 $0x8000, s5;
	s1 =	simm.s32 @p1 $0x0;
	s0 =	ssub.s32 s0, s4  }
0x1d: {  	s4 =	sadd.s32 s26, s24;
	s1 =	smul.u32 s1, s2;
	s2 =	sor.u32 s23, s3  }
0x1e: {  	s18 =	rddreg [dreg:$0x6];
	s3 =	sadd.s32 s25, s4;
	s2 =	sshrl.u32 s2, $0x3  }
0x1f: {  	s20 =	rddreg [dreg:$0x7];
	s0 =	sshll.u32 s0, $0x5;
	s2 =	sadd.s32 s2, s3  }
0x20: {  	s21 =	rddreg [dreg:$0x8];
	s1 =	sand.u32 $0x3FFFFFFF, s1;
	s0 =	sadd.s32 s0, s2  }
0x21: {  	[hbm4b:s0+s30] =	stream.strided.scatter [tilespmem:s29], [sflag:$0x2], s1, s31, s30, $0x20;
	[tilespmem:$0x10100] =	vst v63  }
.LBB1_17:
0x22: {  	p1 =	slt.u32 s9, $0x2;
	s0 =	smov.u32 s19  }
0x23: {  	s4 =	smov.u32 s20;
	s5 =	smov.u32 s18;
	p2 =	sgt.s32 @!p1 s19, $0x3  }
0x24: {  	s9 =	sadd.s32 $0x1, s9;
	s1 =	sshra.s32 @!p1 s19, $0x1F;
	p2 =	por !p2, p1  }
0x25: {  	p0 =	por !p0, !p0;
	s1 =	sand.u32 @!p1 s1, s19;
	s0 =	simm.s32 @p2 $0x3  }
0x26: {  	p3 =	sgt.s32 @!p1 s21, $0xDF;
	s2 =	sshra.s32 @!p1 s21, $0x1F;
	s0 =	ssub.s32 @!p1 s0, s1  }
0x27: {  	s3 =	sshra.s32 @!p1 s18, $0x1F;
	s2 =	sand.u32 @!p1 s2, s21;
	s1 =	sadd.s32 @!p1 $0xFFFFFFFD, s0  }
0x28: {  	s3 =	sand.u32 @!p1 s3, s18;
	s19 =	smov.u32 s17;
	p2 =	sgt.s32 @!p1 s1, $0x0  }
0x29: {  	s0 =	ssub.s32 @!p1 $0x4, s0;
	s1 =	smov.u32 s21;
	p2 =	por !p2, p1  }
0x2a: {  	s0 =	simm.s32 @!p2 $0x0;
	p2 =	por !p3, p1;
	p3 =	sgt.s32 @!p1 s18, $0x40  }
0x2b: {  	s1 =	simm.s32 @p2 $0xDF;
	p2 =	sgt.s32 @!p1 s20, $0x80;
	p3 =	por !p3, p1  }
0x2c: {  	s1 =	ssub.s32 @!p1 s1, s2;
	s2 =	sshra.s32 @!p1 s20, $0x1F;
	p2 =	por !p2, p1  }
0x2d: {  	s5 =	simm.s32 @p3 $0x40;
	s2 =	sand.u32 @!p1 s2, s20;
	s4 =	simm.s32 @p2 $0x80  }
0x2e: {  	s3 =	ssub.s32 @!p1 s5, s3;
	s2 =	ssub.s32 @!p1 s4, s2;
	s4 =	sadd.s32 @!p1 $0xFFFFFF21, s1  }
0x2f: {  	s5 =	sadd.s32 @!p1 $0xFFFFFFC0, s3;
	p2 =	sgt.s32 @!p1 s4, $0x0;
	s4 =	sadd.s32 @!p1 $0xFFFFFF80, s2  }
0x30: {  	s1 =	ssub.s32 @!p1 $0xE0, s1;
	s3 =	ssub.s32 @!p1 $0xC0, s3;
	p3 =	sgt.s32 @!p1 s4, $0x7F  }
0x31: {  	s2 =	ssub.s32 @!p1 $0x100, s2;
	p2 =	por !p2, p1;
	p3 =	por !p3, p1  }
0x32: {  	s4 =	sadd.s32 $0x80, s12;
	s1 =	simm.s32 @!p2 $0x0;
	s2 =	simm.s32 @!p3 $0x0  }
0x33: {  	p2 =	sgt.s32 s4, $0xBF;
	s1 =	smul.u32 @!p1 s1, s2;
	s2 =	simm.s32 $0x1  }
0x34: {  	p3 =	sgt.s32 @!p1 s5, $0x7F;
	s5 =	smov.u32 s14;
	s2 =	simm.s32 @!p2 $0x0  }
0x35: {  	p3 =	por !p3, p1;
	s0 =	smul.u32 @!p1 s0, s1;
	s1 =	sadd.s32 s2, s13  }
0x36: {  	s3 =	simm.s32 @!p3 $0x0;
	s2 =	sadd.s32 $0x80, s14;
	p3 =	sgt.s32 s1, $0x3  }
0x37: {  	s4 =	simm.s32 @p2 $0x0;
	s0 =	smul.u32 @!p1 s3, s0;
	s5 =	smov.u32 @p3 s2  }
0x38: {  	s2 =	sadd.s32 $0x20, s15;
	s3 =	smov.u32 s15;
	p2 =	sgt.s32 s5, $0xDF  }
0x39: {  	s17 =	smov.u32 s13;
	s21 =	smov.u32 s11;
	s3 =	smov.u32 @p2 s2  }
0x3a: {  	s11 =	smov.u32 s15;
	s5 =	simm.s32 @p2 $0x0;
	p2 =	sgt.s32 s3, $0xDF  }
0x3b: {  	s18 =	smov.u32 s7;
	s3 =	smov.u32 @p2 s16;
	p2 =	sne.s32 s9, $0x72  }
.Ltmp1:
0x3c: {  	s7 =	smov.u32 s12;
	s20 =	smov.u32 s10;
	(pc) =	sbr.rel @!p2 .LBB1_18-.Ltmp1, $4  }
0x3d: {  	s10 =	smov.u32 s14;
	s0 =	sand.u32 @!p1 $0x3FFFFFFF, s0;
	s2 =	simm.s32 @!p1 $0x2  }
0x3e: {  	s12 =	smov.u32 s4;
	s1 =	simm.s32 @p3 $0x0;
	_ =	swait.ge @!p1 [sflag:s2], s0  }
0x3f: {  	s13 =	smov.u32 s1;
	s0 =	ssub.s32 @!p1 $0x0, s0;
	[sflag:s2] =	ssyncset.done @!p1 $0x0  }
0x40: {  	s14 =	smov.u32 s5;
	[sflag:s2] =	ssyncadd.s32 @!p1 s0;
	s15 =	smov.u32 s3  }
.LBB1_1:
0x41: {  	p1 =	sgt.u32 s9, $0x6F  }
0x42: {  	s0 =	smov.u32 s15;
	s2 =	smov.u32 s14;
	p2 =	sgt.s32 @!p1 s15, $0xDF  }
0x43: {  	s1 =	sshra.s32 @!p1 s15, $0x1F;
	s3 =	sshra.s32 @!p1 s14, $0x1F;
	p2 =	por !p2, p1  }
0x44: {  	s4 =	sshra.s32 @!p1 s13, $0x1F;
	s0 =	simm.s32 @p2 $0xDF;
	p2 =	sgt.s32 @!p1 s14, $0x60  }
0x45: {  	s5 =	sshra.s32 @!p1 s12, $0x1F;
	s1 =	sand.u32 @!p1 s1, s15;
	p2 =	por !p2, p1  }
0x46: {  	s3 =	sand.u32 @!p1 s3, s14;
	s0 =	ssub.s32 @!p1 s0, s1;
	s2 =	simm.s32 @p2 $0x60  }
0x47: {  	s4 =	sand.u32 @!p1 s4, s13;
	s1 =	ssub.s32 @!p1 s2, s3;
	s2 =	sadd.s32 @!p1 $0xFFFFFF21, s0  }
0x48: {  	s5 =	sand.u32 @!p1 s5, s12;
	s0 =	ssub.s32 @!p1 $0xE0, s0;
	p2 =	sgt.s32 @!p1 s2, $0x0  }
0x49: {  	s3 =	sadd.s32 @!p1 $0xFFFFFFA0, s1;
	s1 =	ssub.s32 @!p1 $0xE0, s1;
	p2 =	por !p2, p1  }
0x4a: {  	s2 =	sxor.u32 @!p1 $0xFFFFFFFF, s9;
	s0 =	simm.s32 @!p2 $0x0;
	p2 =	sgt.s32 @!p1 s13, $0x3  }
0x4b: {  	p3 =	sgt.s32 @!p1 s3, $0x7F;
	s3 =	smov.u32 s13;
	p2 =	por !p2, p1  }
0x4c: {  	p3 =	por !p3, p1;
	s3 =	simm.s32 @p2 $0x3;
	p2 =	sgt.s32 @!p1 s12, $0x80  }
0x4d: {  	s3 =	ssub.s32 @!p1 s3, s4;
	p2 =	por !p2, p1;
	s4 =	smov.u32 s12  }
0x4e: {  	s1 =	simm.s32 @!p3 $0x0;
	s6 =	sadd.s32 @!p1 $0xFFFFFFFD, s3;
	s4 =	simm.s32 @p2 $0x80  }
0x4f: {  	s0 =	smul.u32 @!p1 s0, s1;
	p2 =	sgt.s32 @!p1 s6, $0x0;
	s1 =	ssub.s32 @!p1 s4, s5  }
0x50: {  	s3 =	ssub.s32 @!p1 $0x4, s3;
	p2 =	por !p2, p1;
	s4 =	sadd.s32 @!p1 $0xFFFFFF80, s1  }
0x51: {  	s5 =	sshll.u32 @!p1 s13, $0x7;
	s3 =	simm.s32 @!p2 $0x0;
	p2 =	sgt.s32 @!p1 s4, $0x7F  }
0x52: {  	s1 =	ssub.s32 @!p1 $0x100, s1;
	s0 =	smul.u32 @!p1 s3, s0;
	p2 =	por !p2, p1  }
0x53: {  	s2 =	sshll.u32 @!p1 s2, $0xE;
	s5 =	sand.u32 @!p1 $0x180, s5;
	s1 =	simm.s32 @!p2 $0x0  }
0x54: {  	s4 =	sshll.u32 @!p1 s12, $0x2;
	s3 =	sand.u32 @!p1 $0x78, s12;
	s0 =	smul.u32 @!p1 s1, s0  }
0x55: {  	s3 =	sor.u32 @!p1 s3, s5;
	s1 =	sand.u32 @!p1 $0x200, s4;
	s4 =	smul.u32 @!p1 $0x7000, s15  }
0x56: {  	s2 =	sand.u32 @!p1 $0x4000, s2;
	s6 =	sshll.u32 @!p1 s14, $0x7;
	s1 =	sor.u32 @!p1 s1, s3  }
0x57: {  	s0 =	sand.u32 @!p1 $0x3FFFFFFF, s0;
	s3 =	sadd.s32 @!p1 s8, s4;
	s4 =	sand.u32 @!p1 $0x7, s12  }
0x58: {  	s1 =	sshrl.u32 @!p1 s1, $0x3;
	s3 =	sadd.s32 @!p1 s6, s3;
	s4 =	sshll.u32 @!p1 s4, $0x12  }
0x59: {  	s1 =	sadd.s32 @!p1 s1, s3;
	s3 =	sor.u32 @!p1 $0x80, s4;
	s4 =	simm.s32 @!p1 $0x400  }
0x5a: {  	[tilespmem:s2], [sflag:$0x1] =	stream.strided.gather @!p1 [hbm4b:s1+s3], s0, s4, s3, $0x38;
	[tilespmem:$0x10100] =	vst v63  }
0x5b: {  	p1 =	seq.s32 s9, $0x0  }
0x5c: {  	p2 =	seq.s32 @!p1 s9, $0x71  }
0x5d: {  	p1 =	por p1, p2  }
.Ltmp2:
0x5e: {  	_ = 	snop;
	(pc) =	sbr.rel @p1 .LBB1_17-.Ltmp2, $1  }
0x5f: {  	_ =	sdelay $0x3  }
0x60: {  	[dreg:$0x8] =	wrdreg s21  }
0x61: {  	[dreg:$0x7] =	wrdreg s20  }
0x62: {  	[dreg:$0x6] =	wrdreg s18;
	p1 =	sgt.s32 s11, $0xDF  }
0x63: {  	s0 =	smov.u32 s11;
	s1 =	sshra.s32 s11, $0x1F;
	s18 =	ssub.s32 $0x0, s10  }
0x64: {  	s2 =	sshra.s32 s10, $0x1F;
	p2 =	sgt.s32 s17, $0x3;
	s3 =	smov.u32 s17  }
0x65: {  	s4 =	sshra.s32 s17, $0x1F;
	p3 =	sgt.s32 s10, $0x60;
	s5 =	smov.u32 s10  }
0x66: {  	s24 =	ssub.s32 $0x0, s7;
	s25 =	sshra.s32 s7, $0x1F;
	s0 =	simm.s32 @!p1 $0xDF  }
0x67: {  	s1 =	sand.u32 s1, s11;
	s3 =	simm.s32 @!p2 $0x3;
	s4 =	sand.u32 s4, s17  }
0x68: {  	s2 =	sand.u32 s18, s2;
	s5 =	simm.s32 @!p3 $0x60;
	p2 =	sgt.s32 s7, $0x80  }
0x69: {  	s26 =	sand.u32 s24, s25;
	s0 =	ssub.s32 s0, s1;
	s20 =	ssub.s32 s3, s4  }
0x6a: {  	[dreg:$0xb] =	wrdreg s2;
	s21 =	sadd.s32 s2, s5;
	s5 =	smov.u32 s7  }
0x6b: {  	s2 =	sadd.s32 $0x1, s11;
	s1 =	sadd.s32 $0xFFFFFF21, s0;
	s6 =	ssub.s32 $0xE0, s0  }
0x6c: {  	s22 =	sadd.s32 $0xFFFFFFFD, s20;
	s23 =	sadd.s32 $0xFFFFFFA0, s21;
	s8 =	ssub.s32 $0x4, s20  }
0x6d: {  	s5 =	simm.s32 @!p2 $0x80;
	s0 =	ssub.s32 $0xE0, s21;
	p1 =	sgt.s32 s1, $0x0  }
0x6e: {  	s1 =	sadd.s32 s26, s5;
	s6 =	simm.s32 @p1 $0x0;
	p1 =	sgt.s32 s22, $0x0  }
0x6f: {  	p2 =	sgt.s32 s23, $0x7F;
	s28 =	sadd.s32 $0xFFFFFF80, s1;
	s8 =	simm.s32 @p1 $0x0  }
0x70: {  	s1 =	ssub.s32 $0x100, s1;
	p1 =	sgt.s32 s28, $0x7F;
	s29 =	smul.u32 s6, s8  }
0x71: {  	s0 =	simm.s32 @p2 $0x0;
	s1 =	simm.s32 @p1 $0x0;
	p1 =	slt.s32 s2, $0xE0  }
0x72: {  	s3 =	sadd.s32 $0x80, s10;
	s2 =	simm.s32 @!p1 $0xE0;
	s0 =	smul.u32 s0, s29  }
0x73: {  	[dreg:$0xc] =	wrdreg s26;
	p1 =	slt.s32 s3, $0xE0;
	s25 =	ssub.s32 s2, s11  }
0x74: {  	s3 =	simm.s32 @!p1 $0xE0;
	s0 =	smul.u32 s1, s0;
	s1 =	sadd.s32 $0x1, s17  }
0x75: {  	s26 =	ssub.s32 s3, s10;
	p1 =	slt.s32 s25, $0x1;
	p2 =	slt.s32 s1, $0x4  }
0x76: {  	s1 =	simm.s32 @!p2 $0x4;
	p2 =	slt.s32 @!p1 s26, $0x1  }
0x77: {  	s27 =	ssub.s32 s1, s17;
	p2 =	por p1, p2  }
0x78: {  	p3 =	slt.s32 @!p2 s27, $0x1  }
0x79: {  	[dreg:$0x5] =	wrdreg s17;
	p2 =	por p2, p3  }
.Ltmp3:
0x7a: {  	[dreg:$0x9] =	wrdreg s6;
	(pc) =	sbr.rel @p2 .LBB1_16-.Ltmp3, $4  }
0x7b: {  	s30 =	simm.s32 $0x1;
	[dreg:$0xa] =	wrdreg s8;
	s0 =	sand.u32 $0x3FFFFFFF, s0  }
0x7c: {  	_ =	swait.ge [sflag:s30], s0  }
0x7d: {  	s31 =	sand.u32 $0x1, s9;
	s0 =	ssub.s32 $0x0, s0;
	[sflag:s30] =	ssyncset.done $0x0  }
0x7e: {  	[dreg:$0xd] =	wrdreg s31;
	[sflag:s30] =	ssyncadd.s32 s0  }
0x7f: {  	s0 =	sadd.s32 $0x80, s7  }
0x80: {  	p2 =	slt.s32 s0, $0xC0  }
0x81: {  	s0 =	simm.s32 @!p2 $0xC0  }
0x82: {  	s1 =	simm.s32 $0x1;
	s0 =	ssub.s32 s0, s7  }
0x83: {  	s1 =	simm.s32 @!p0 $0x0;
	s2 =	sadd.s32 $0xF, s0  }
0x84: {  	s23 =	smul.u32 $0x10200, s1;
	s24 =	sshrl.u32 s2, $0x8  }
0x85: {  	s1 =	smul.u32 $0x20400, s24  }
.Ltmp4:
0x86: {  	s3 =	rddreg [dreg:$0xd];
	(pc) =	sbr.rel .LBB1_4-.Ltmp4, $4  }
0x87: {  	s30 =	sshll.u32 @!p1 s3, $0xE;
	s0 =	sshrl.u32 s23, $0x2;
	s28 =	sand.u32 $0xFFFFFFF0, s2  }
0x88: {  	s29 =	sand.u32 @!p1 $0xFFFFFF00, s2;
	s31 =	sadd.s32 $0xF8F0, s0;
	s1 =	sadd.s32 s23, s1  }
0x89: {  	p1 =	slt.s32 s2, $0x100;
	s2 =	simm.s32 $0x0;
	s1 =	sshra.s32 s1, $0x2  }
0x8a: {  	p2 =	sge.s32 s29, s28;
	s0 =	sadd.s32 $0x8000, s1;
	s1 =	simm.s32 $0x0  }
.LBB1_15:
0x8b: {  	s2 =	sadd.s32 $0x1, s2  }
0x8c: {  	p3 =	sne.s32 s2, s25  }
.Ltmp5:
0x8d: {  	_ = 	snop;
	(pc) =	sbr.rel @!p3 .LBB1_16-.Ltmp5, $2  }
0x8e: {  	_ =	sdelay $0x2  }
0x8f: {  	s1 =	sadd.s32 $0x1, s1  }
.LBB1_4:
.Ltmp6:
0x90: {  	s3 =	sand.u32 $0x7, s1;
	(pc) =	sbr.rel .LBB1_5-.Ltmp6, $4  }
0x91: {  	s3 =	smul.u32 $0x204, s3  }
0x92: {  	s4 =	sshll.u32 s2, $0x10;
	s5 =	simm.s32 $0x0  }
0x93: {  	s22 =	simm.s32 $0x0;
	s4 =	sshra.s32 s4, $0x2;
	s3 =	sshrl.u32 s3, $0x2  }
0x94: {  	s6 =	sadd.s32 s4, s30;
	s4 =	sadd.s32 s3, s31;
	s3 =	sadd.s32 s3, s0  }
.LBB1_14:
0x95: {  	s22 =	sadd.s32 $0x1, s22  }
0x96: {  	p3 =	sne.s32 s22, s26  }
.Ltmp7:
0x97: {  	_ = 	snop;
	(pc) =	sbr.rel @!p3 .LBB1_15-.Ltmp7, $2  }
0x98: {  	_ =	sdelay $0x2  }
0x99: {  	s5 =	sadd.s32 $0x1, s5  }
.LBB1_5:
.Ltmp8:
0x9a: {  	(pc) =	sbr.rel .LBB1_6-.Ltmp8, $4  }
0x9b: {  	_ = 	snop  }
0x9c: {  	s16 =	sshll.u32 s22, $0x9  }
0x9d: {  	s8 =	sand.u32 $0x7F, s5;
	s21 =	simm.s32 $0x0;
	s16 =	sshra.s32 s16, $0x2  }
0x9e: {  	s23 =	sadd.s32 s8, s3;
	s17 =	sadd.s32 s8, s4;
	s20 =	sadd.s32 s16, s6  }
.LBB1_13:
0x9f: {  	s21 =	sadd.s32 $0x1, s21  }
0xa0: {  	p3 =	sne.s32 s21, s27  }
.Ltmp9:
0xa1: {  	_ = 	snop;
	(pc) =	sbr.rel @!p3 .LBB1_14-.Ltmp9, $2  }
0xa2: {  	_ =	sdelay $0x2  }
0xa3: {  	s17 =	sadd.s32 $0x4080, s17;
	s23 =	sadd.s32 $0x4080, s23  }
.LBB1_6:
.Ltmp10:
0xa4: {  	(pc) =	sbr.rel @p1 .LBB1_10-.Ltmp10, $2  }
0xa5: {  	_ =	sdelay $0x2  }
0xa6: {  	s16 =	sshll.u32 s21, $0x7  }
0xa7: {  	s8 =	sand.u32 $0x180, s16  }
0xa8: {  	s8 =	sadd.s32 s8, s20  }
0xa9: {  	v5 =	vld [tilespmem:s8+$0x70]  }
0xaa: {  	v6 =	vld [tilespmem:s8+$0x0]  }
0xab: {  	v7 =	vld [tilespmem:s8+$0x10]  }
0xac: {  	v1 =	vld [tilespmem:s8+$0x20]  }
0xad: {  	v0 =	vld [tilespmem:s8+$0x30]  }
0xae: {  	v2 =	vld [tilespmem:s8+$0x40];
	[tilespmem:s17+$0x0 ss:$0x81] =	vst.msk $0xffff, v5  }
0xaf: {  	v3 =	vld [tilespmem:s8+$0x50];
	[tilespmem:s17+$0xFFFF8710 ss:$0x81] =	vst.msk $0xffff, v6  }
0xb0: {  	v4 =	vld [tilespmem:s8+$0x60];
	[tilespmem:s17+$0xFFFF8F20 ss:$0x81] =	vst.msk $0xffff, v7  }
0xb1: {  	[tilespmem:s17+$0xFFFF9730 ss:$0x81] =	vst.msk $0xffff, v1  }
0xb2: {  	[tilespmem:s17+$0xFFFF9F40 ss:$0x81] =	vst.msk $0xffff, v0  }
0xb3: {  	p3 =	sgt.s32 s29, $0x100;
	[tilespmem:s17+$0xFFFFA750 ss:$0x81] =	vst.msk $0xffff, v2  }
.Ltmp11:
0xb4: {  	[tilespmem:s17+$0xFFFFAF60 ss:$0x81] =	vst.msk $0xffff, v3;
	(pc) =	sbr.rel @!p3 .LBB1_9-.Ltmp11, $4  }
0xb5: {  	[tilespmem:s17+$0xFFFFB770 ss:$0x81] =	vst.msk $0xffff, v4  }
0xb6: {  	[tilespmem:s17+$0xFFFFBF80 ss:$0x81] =	vst.msk $0xffff, v5  }
0xb7: {  	[tilespmem:s17+$0xFFFFC790 ss:$0x81] =	vst.msk $0xffff, v6  }
0xb8: {  	s18 =	simm.s32 $0x100;
	s24 =	smov.u32 s17;
	[tilespmem:s17+$0xFFFFCFA0 ss:$0x81] =	vst.msk $0xffff, v7  }
.LBB1_8:
0xb9: {  	v5 =	vld [tilespmem:s8+$0x70];
	s18 =	sadd.s32 $0x100, s18;
	[tilespmem:s24+$0xFFFFD7B0 ss:$0x81] =	vst.msk $0xffff, v1  }
0xba: {  	v6 =	vld [tilespmem:s8+$0x0];
	p3 =	slt.s32 s18, s29;
	[tilespmem:s24+$0xFFFFDFC0 ss:$0x81] =	vst.msk $0xffff, v0  }
0xbb: {  	v7 =	vld [tilespmem:s8+$0x10];
	[tilespmem:s24+$0xFFFFE7D0 ss:$0x81] =	vst.msk $0xffff, v2  }
0xbc: {  	v1 =	vld [tilespmem:s8+$0x20];
	[tilespmem:s24+$0xFFFFEFE0 ss:$0x81] =	vst.msk $0xffff, v3  }
0xbd: {  	v0 =	vld [tilespmem:s8+$0x30];
	[tilespmem:s24+$0xFFFFF7F0 ss:$0x81] =	vst.msk $0xffff, v4;
	s24 =	sadd.s32 $0x8100, s24  }
0xbe: {  	v2 =	vld [tilespmem:s8+$0x40];
	[tilespmem:s24+$0x0 ss:$0x81] =	vst.msk $0xffff, v5  }
0xbf: {  	[tilespmem:s24+$0xFFFF8710 ss:$0x81] =	vst.msk $0xffff, v6;
	v3 =	vld [tilespmem:s8+$0x50]  }
0xc0: {  	[tilespmem:s24+$0xFFFF8F20 ss:$0x81] =	vst.msk $0xffff, v7;
	v4 =	vld [tilespmem:s8+$0x60]  }
0xc1: {  	[tilespmem:s24+$0xFFFF9730 ss:$0x81] =	vst.msk $0xffff, v1  }
0xc2: {  	[tilespmem:s24+$0xFFFF9F40 ss:$0x81] =	vst.msk $0xffff, v0  }
0xc3: {  	[tilespmem:s24+$0xFFFFA750 ss:$0x81] =	vst.msk $0xffff, v2  }
.Ltmp12:
0xc4: {  	[tilespmem:s24+$0xFFFFAF60 ss:$0x81] =	vst.msk $0xffff, v3;
	(pc) =	sbr.rel @p3 .LBB1_8-.Ltmp12, $4  }
0xc5: {  	[tilespmem:s24+$0xFFFFB770 ss:$0x81] =	vst.msk $0xffff, v4  }
0xc6: {  	[tilespmem:s24+$0xFFFFBF80 ss:$0x81] =	vst.msk $0xffff, v5  }
0xc7: {  	[tilespmem:s24+$0xFFFFC790 ss:$0x81] =	vst.msk $0xffff, v6  }
0xc8: {  	[tilespmem:s24+$0xFFFFCFA0 ss:$0x81] =	vst.msk $0xffff, v7  }
.LBB1_9:
0xc9: {  	[tilespmem:s24+$0xFFFFD7B0 ss:$0x81] =	vst.msk $0xffff, v1  }
0xca: {  	[tilespmem:s24+$0xFFFFDFC0 ss:$0x81] =	vst.msk $0xffff, v0  }
0xcb: {  	[tilespmem:s24+$0xFFFFE7D0 ss:$0x81] =	vst.msk $0xffff, v2  }
0xcc: {  	[tilespmem:s24+$0xFFFFEFE0 ss:$0x81] =	vst.msk $0xffff, v3  }
0xcd: {  	[tilespmem:s24+$0xFFFFF7F0 ss:$0x81] =	vst.msk $0xffff, v4  }
.LBB1_10:
.Ltmp13:
0xce: {  	(pc) =	sbr.rel @p2 .LBB1_13-.Ltmp13, $1  }
0xcf: {  	_ =	sdelay $0x3  }
0xd0: {  	s8 =	sand.u32 $0x180, s16  }
0xd1: {  	s8 =	sadd.s32 s8, s20  }
0xd2: {  	v0 =	vmov s8;
	_ =	sdelay $0x2  }
0xd3: {  	s16 =	smov.u32 s29;
	s8 =	smov.u32 s23  }
.LBB1_12:
0xd4: {  	s18 =	sand.u32 $0x70, s16;
	s16 =	sadd.s32 $0x10, s16  }
0xd5: {  	v1 =	vld.idx.msk [tilespmem:v0+s18+$0x0 ss:$0x1], $0xffff;
	p3 =	slt.s32 s16, s28  }
.Ltmp14:
0xd6: {  	_ = 	snop;
	(pc) =	sbr.rel @p3 .LBB1_12-.Ltmp14, $2  }
0xd7: {  	_ =	sdelay $0x2  }
0xd8: {  	[tilespmem:s8+$0x0 ss:$0x81] =	vst.msk $0xffff, v1;
	s8 =	sadd.s32 $0x810, s8  }
.Ltmp15:
0xd9: {  	_ = 	snop;
	(pc) =	sbr.rel .LBB1_13-.Ltmp15, $1  }
0xda: {  	_ =	sdelay $0x3  }
.LBB1_18:
0xdb: {  	_ =	sfence.sel $0x180000  }
0xdc: {  	s0 =	simm.s32 $0x1;
	[bflag:$0x0] =	sbarrier.arrive $0xFFFF  }
0xdd: {  	s30 =	simm.s32 $0x2;
	[sflag:s0] =	ssyncpa.u1 $0x1  }
0xde: {  	[sflag:s30] =	ssyncpa.u1 $0x1  }
0xdf: {  	_ =	strace $0x9000004D  }
0xe0: {  	s31 =	stileid.u32;
	[bflag:$0x2] =	sbarrier.arrive $0xFFFF  }
0xe1: {  	p0 =	sne.s32 s31, $0x0;
	s0 =	rddreg [dreg:$0x2]  }
0xe2: {  	s0 =	sadd.s32 @!p0 $0x100000, s0  }
0xe3: {  	[sflag:s0] =	ssyncadd.tile.s32 @!p0 $0x1;
	_ =	shalt  }
.Lfunc_end1:
_tile_overlayer_lowered:
.L_overlay_start_2:
0xe4: {  	(tag) =	ssettag $0x2  }
0xe5: {  	s0 =	rddreg [dreg:$0x0];
	s2 =	stileid.u32  }
0xe6: {  	s1 =	rddreg [dreg:$0x1];
	p0 =	sne.s32 s2, $0x0  }
0xe7: {  	s3 =	rddreg [dreg:$0x2];
	[bflag:$0x3] =	sbarrier.arrive $0xFFFF;
	s2 =	simm.s32 @!p0 $0x1C01  }
0xe8: {  	[timem:s3], [sflag:s2] =	dma.local @!p0 [hbm:s0], s1  }
0xe9: {  	s0 =	simm.s32 @!p0 $0x1  }
0xea: {  	_ =	swait.ge @!p0 [sflag:s0], s1  }
0xeb: {  	s1 =	ssub.s32 @!p0 $0x0, s1;
	[sflag:s0] =	ssyncset.done @!p0 $0x0  }
0xec: {  	[sflag:s0] =	ssyncadd.s32 @!p0 s1  }
0xed: {  	[bflag:$0x3] =	sbarrier.arrive $0xFFFF  }
0xee: {  	_ =	shalt  }

</sc_bundles>
